<compile_context>
chip_gen: v7x
topology: tpu7x:2x2x1
jax: 0.10.2.dev20260603
libtpu: 0.0.44.dev20260713+nightly
codegen_flags: <defaults>
</compile_context>

<pallas_src>
import jax
import jax.numpy as jnp
from jax import lax
from jax.experimental import pallas as pl
from jax.experimental.pallas import tpu as pltpu
from jax.experimental.pallas import tpu_sc as plsc

_BATCH = 16
_N_NODES = 512
_HIDDEN = 768
_CH = 64


def _build_idx(idx_ref, base, clamp_lo):
    for k in range(17):
        v = lax.iota(jnp.int32, 16) + (base + k * 16)
        if clamp_lo:
            v = lax.max(v, 0)
        v = lax.min(v, _N_NODES - 1)
        idx_ref[pl.ds(k * 16, 16)] = v


def _sc_body(node_hbm, tok_hbm, out_hbm, buf0, buf1, idx_ref,
             sem_in, sem_out):
    c = lax.axis_index("c")
    s = lax.axis_index("s")
    wid = s * 2 + c
    b = wid // 2
    half = wid % 2
    bufs = (buf0, buf1)

    @pl.when(half == 0)
    def _():
        _build_idx(idx_ref, -1, True)
        ins = [
            pltpu.make_async_copy(
                node_hbm.at[b].at[idx_ref.at[pl.ds(i * _CH, _CH)]],
                bufs[i % 2].at[pl.ds(0, _CH), :],
                sem_in.at[i],
            )
            for i in range(4)
        ]
        outs = [
            pltpu.make_async_copy(
                bufs[i % 2].at[pl.ds(0, _CH), :],
                out_hbm.at[b, pl.ds(i * _CH, _CH), :],
                sem_out.at[i],
            )
            for i in range(4)
        ]
        ins[0].start()
        ins[1].start()
        ins[0].wait()
        pltpu.sync_copy(tok_hbm, buf0.at[pl.ds(0, 1), :])
        outs[0].start()
        ins[1].wait()
        outs[1].start()
        outs[0].wait()
        ins[2].start()
        outs[1].wait()
        ins[3].start()
        ins[2].wait()
        outs[2].start()
        ins[3].wait()
        outs[3].start()
        outs[2].wait()
        outs[3].wait()

    @pl.when(half == 1)
    def _():
        _build_idx(idx_ref, _N_NODES // 2 - 1, False)
        ins = [
            pltpu.make_async_copy(
                node_hbm.at[b].at[idx_ref.at[pl.ds(i * _CH, _CH)]],
                bufs[i % 2].at[pl.ds(0, _CH), :],
                sem_in.at[i],
            )
            for i in range(3)
        ] + [
            pltpu.make_async_copy(
                node_hbm.at[b].at[idx_ref.at[pl.ds(3 * _CH, _CH + 16)]],
                buf1,
                sem_in.at[3],
            )
        ]
        outs = [
            pltpu.make_async_copy(
                bufs[i % 2].at[pl.ds(0, _CH), :],
                out_hbm.at[b, pl.ds(256 + i * _CH, _CH), :],
                sem_out.at[i],
            )
            for i in range(4)
        ] + [
            pltpu.make_async_copy(
                buf1.at[pl.ds(_CH, 16), :],
                out_hbm.at[b].at[jnp.full((16,), _N_NODES, jnp.int32)],
                sem_out.at[4],
            )
        ]
        ins[0].start()
        ins[1].start()
        ins[0].wait()
        outs[0].start()
        ins[1].wait()
        outs[1].start()
        outs[0].wait()
        ins[2].start()
        outs[1].wait()
        ins[3].start()
        ins[2].wait()
        outs[2].start()
        ins[3].wait()
        outs[3].start()
        outs[4].start()
        outs[2].wait()
        outs[3].wait()
        outs[4].wait()


@jax.jit
def _sc_call(node_feature, graph_token):
    run = pl.kernel(
        _sc_body,
        out_type=jax.ShapeDtypeStruct((_BATCH, _N_NODES + 1, _HIDDEN),
                                      jnp.float32),
        mesh=plsc.VectorSubcoreMesh(core_axis_name="c", subcore_axis_name="s"),
        scratch_types=[
            pltpu.VMEM((_CH + 16, _HIDDEN), jnp.float32),
            pltpu.VMEM((_CH + 16, _HIDDEN), jnp.float32),
            pltpu.VMEM((272,), jnp.int32),
            pltpu.SemaphoreType.DMA((4,)),
            pltpu.SemaphoreType.DMA((5,)),
        ],
    )
    return run(node_feature, graph_token)


def kernel(node_feature, graph_token):
    return _sc_call(node_feature, graph_token)

# --- scband reference (transcript-rebuilt; emitter-appended) ---
"""Pipeline reference for scband-add-super-node-57552561766469 (READ-ONLY COPY).

The authoritative reference and input builder live on the scoring server;
editing this copy changes nothing except your own understanding.
"""

import jax, jax.numpy as jnp
import numpy as np

HIDDEN_DIM = 768
BATCH = 16
N_NODES = 512


def setup_inputs(seed: int = 0) -> dict:
    key = jax.random.key(seed)
    k1, k2 = jax.random.split(key)
    node_feature = jax.random.normal(k1, (BATCH, N_NODES, HIDDEN_DIM), dtype=jnp.float32)
    # learned parameter: nn.Embedding(1, hidden_dim).weight -> shape [1, hidden_dim]
    graph_token = jax.random.normal(k2, (1, HIDDEN_DIM), dtype=jnp.float32)
    return {"node_feature": node_feature, "graph_token": graph_token}


def reference(node_feature, graph_token):
    n_graph = node_feature.shape[0]
    # graph_token.weight.unsqueeze(0).repeat(n_graph, 1, 1)
    graph_token_feature = jnp.broadcast_to(
        graph_token[None, :, :], (n_graph, graph_token.shape[0], graph_token.shape[1])
    )
    graph_node_feature = jnp.concatenate([graph_token_feature, node_feature], axis=1)
    return graph_node_feature

if __name__ == "__main__":
    import jax
    _d = setup_inputs()
    print(jax.jit(kernel)(*tuple(_d.values())))

</pallas_src>

<mosaic_0001>
#map = affine_map<(d0, d1) -> (0, 0, 0)>
#map1 = affine_map<(d0, d1) -> (0, 0)>
module attributes {stable_mosaic.version = 14 : i64} {
  func.func @_sc_body(%arg0: i32, %arg1: i32, %arg2: memref<16x512x768xf32, #tpu.memory_space<hbm>>, %arg3: memref<1x768xf32, #tpu.memory_space<hbm>>, %arg4: memref<16x513x768xf32, #tpu.memory_space<hbm>>, %arg5: memref<80x768xf32, #tpu.memory_space<vmem>>, %arg6: memref<80x768xf32, #tpu.memory_space<vmem>>, %arg7: memref<272xi32, #tpu.memory_space<vmem>>, %arg8: memref<4x!tpu.dma_semaphore, #tpu.memory_space<semaphore_mem>>, %arg9: memref<5x!tpu.dma_semaphore, #tpu.memory_space<semaphore_mem>>) attributes {dimension_semantics = [#tpu.dimension_semantics<core_parallel>, #tpu.dimension_semantics<subcore_parallel>], iteration_bounds = array<i64: 2, 16>, scalar_prefetch = 0 : i64, scratch_operands = 5 : i64, tpu.core_type = #tpu.core_type<sc_vector_subcore>, window_params = [{transform_indices = #map}, {transform_indices = #map1}, {transform_indices = #map}]} {
    %mul3A = arith.constant 2 : i32
    %mul3A_0 = arith.muli %arg1, %mul3A : i32
    %add3A = arith.addi %mul3A_0, %arg0 : i32
    %jit3A = arith.constant 2 : i32
    %div3A = arith.divsi %add3A, %jit3A : i32
    %sign3A = arith.constant 0 : i32
    %sign3A_1 = arith.cmpi sgt, %add3A, %sign3A : i32
    %sign3A_2 = arith.extui %sign3A_1 : i1 to i32
    %sign3A_3 = arith.constant 0 : i32
    %sign3A_4 = arith.cmpi slt, %add3A, %sign3A_3 : i32
    %sign3A_5 = arith.extui %sign3A_4 : i1 to i32
    %sign3A_6 = arith.subi %sign3A_2, %sign3A_5 : i32
    %sign3A_7 = arith.constant 0 : i32
    %sign3A_8 = arith.cmpi sgt, %jit3A, %sign3A_7 : i32
    %sign3A_9 = arith.extui %sign3A_8 : i1 to i32
    %sign3A_10 = arith.constant 0 : i32
    %sign3A_11 = arith.cmpi slt, %jit3A, %sign3A_10 : i32
    %sign3A_12 = arith.extui %sign3A_11 : i1 to i32
    %sign3A_13 = arith.subi %sign3A_9, %sign3A_12 : i32
    %ne3A = arith.cmpi ne, %sign3A_6, %sign3A_13 : i32
    %rem3A = arith.remsi %add3A, %jit3A : i32
    %ne3A_14 = arith.constant 0 : i32
    %ne3A_15 = arith.cmpi ne, %rem3A, %ne3A_14 : i32
    %and3A = arith.andi %ne3A, %ne3A_15 : i1
    %sub3A = arith.constant 1 : i32
    %sub3A_16 = arith.subi %div3A, %sub3A : i32
    %select_n3A = arith.select %and3A, %sub3A_16, %div3A : i32
    %jit3A_17 = arith.constant 2 : i32
    %eq3A = arith.constant 0 : i32
    %eq3A_18 = arith.cmpi eq, %jit3A_17, %eq3A : i32
    %jit3A_19 = arith.constant 1 : i32
    %select_n3A_20 = arith.select %eq3A_18, %jit3A_19, %jit3A_17 : i32
    %rem3A_21 = arith.remsi %add3A, %select_n3A_20 : i32
    %ne3A_22 = arith.constant 0 : i32
    %ne3A_23 = arith.cmpi ne, %rem3A_21, %ne3A_22 : i32
    %lt3A = arith.constant 0 : i32
    %lt3A_24 = arith.cmpi slt, %rem3A_21, %lt3A : i32
    %lt3A_25 = arith.constant 0 : i32
    %lt3A_26 = arith.cmpi slt, %select_n3A_20, %lt3A_25 : i32
    %ne3A_27 = arith.xori %lt3A_24, %lt3A_26 : i1
    %and3A_28 = arith.andi %ne3A_27, %ne3A_23 : i1
    %add3A_29 = arith.addi %rem3A_21, %select_n3A_20 : i32
    %select_n3A_30 = arith.select %and3A_28, %add3A_29, %rem3A_21 : i32
    %eq3A_31 = arith.constant 0 : i32
    %eq3A_32 = arith.cmpi eq, %select_n3A_30, %eq3A_31 : i32
    %convert_element_type3A = arith.extui %eq3A_32 : i1 to i32
    %cond3A = arith.constant 0 : i32
    %cond3A_33 = arith.cmpi ne, %convert_element_type3A, %cond3A : i32
    scf.if %cond3A_33 {
      %iota3A = tpu.iota {dimensions = array<i32: 0>} : vector<16xi32>
      %add3A_39 = arith.constant -1 : i32
      %add3A_40 = vector.broadcast %add3A_39 : i32 to vector<16xi32>
      %add3A_41 = arith.addi %iota3A, %add3A_40 : vector<16xi32>
      %max3A = arith.constant 0 : i32
      %max3A_42 = vector.broadcast %max3A : i32 to vector<16xi32>
      %max3A_43 = arith.maxsi %add3A_41, %max3A_42 : vector<16xi32>
      %min3A = arith.constant 511 : i32
      %min3A_44 = vector.broadcast %min3A : i32 to vector<16xi32>
      %min3A_45 = arith.minsi %max3A_43, %min3A_44 : vector<16xi32>
      %swap3A = arith.constant 0 : index
      %swap3A_46 = tpu.vector_load %arg7[%swap3A] {strides = array<i32>} : memref<272xi32, #tpu.memory_space<vmem>>, vector<16xi32>,
      %swap3A_47 = vector.shape_cast %swap3A_46 : vector<16xi32> to vector<16xi32>
      %swap3A_48 = vector.shape_cast %min3A_45 : vector<16xi32> to vector<16xi32>
      tpu.vector_store %arg7[%swap3A], %swap3A_48 {strides = array<i32>} : memref<272xi32, #tpu.memory_space<vmem>>, vector<16xi32>,
      %iota3A_49 = tpu.iota {dimensions = array<i32: 0>} : vector<16xi32>
      %add3A_50 = arith.constant 15 : i32
      %add3A_51 = vector.broadcast %add3A_50 : i32 to vector<16xi32>
      %add3A_52 = arith.addi %iota3A_49, %add3A_51 : vector<16xi32>
      %max3A_53 = arith.constant 0 : i32
      %max3A_54 = vector.broadcast %max3A_53 : i32 to vector<16xi32>
      %max3A_55 = arith.maxsi %add3A_52, %max3A_54 : vector<16xi32>
      %min3A_56 = arith.constant 511 : i32
      %min3A_57 = vector.broadcast %min3A_56 : i32 to vector<16xi32>
      %min3A_58 = arith.minsi %max3A_55, %min3A_57 : vector<16xi32>
      %swap3A_59 = arith.constant 16 : index
      %swap3A_60 = tpu.vector_load %arg7[%swap3A_59] {strides = array<i32>} : memref<272xi32, #tpu.memory_space<vmem>>, vector<16xi32>,
      %swap3A_61 = vector.shape_cast %swap3A_60 : vector<16xi32> to vector<16xi32>
      %swap3A_62 = vector.shape_cast %min3A_58 : vector<16xi32> to vector<16xi32>
      tpu.vector_store %arg7[%swap3A_59], %swap3A_62 {strides = array<i32>} : memref<272xi32, #tpu.memory_space<vmem>>, vector<16xi32>,
      %iota3A_63 = tpu.iota {dimensions = array<i32: 0>} : vector<16xi32>
      %add3A_64 = arith.constant 31 : i32
      %add3A_65 = vector.broadcast %add3A_64 : i32 to vector<16xi32>
      %add3A_66 = arith.addi %iota3A_63, %add3A_65 : vector<16xi32>
      %max3A_67 = arith.constant 0 : i32
      %max3A_68 = vector.broadcast %max3A_67 : i32 to vector<16xi32>
      %max3A_69 = arith.maxsi %add3A_66, %max3A_68 : vector<16xi32>
      %min3A_70 = arith.constant 511 : i32
      %min3A_71 = vector.broadcast %min3A_70 : i32 to vector<16xi32>
      %min3A_72 = arith.minsi %max3A_69, %min3A_71 : vector<16xi32>
      %swap3A_73 = arith.constant 32 : index
      %swap3A_74 = tpu.vector_load %arg7[%swap3A_73] {strides = array<i32>} : memref<272xi32, #tpu.memory_space<vmem>>, vector<16xi32>,
      %swap3A_75 = vector.shape_cast %swap3A_74 : vector<16xi32> to vector<16xi32>
      %swap3A_76 = vector.shape_cast %min3A_72 : vector<16xi32> to vector<16xi32>
      tpu.vector_store %arg7[%swap3A_73], %swap3A_76 {strides = array<i32>} : memref<272xi32, #tpu.memory_space<vmem>>, vector<16xi32>,
      %iota3A_77 = tpu.iota {dimensions = array<i32: 0>} : vector<16xi32>
      %add3A_78 = arith.constant 47 : i32
      %add3A_79 = vector.broadcast %add3A_78 : i32 to vector<16xi32>
      %add3A_80 = arith.addi %iota3A_77, %add3A_79 : vector<16xi32>
      %max3A_81 = arith.constant 0 : i32
      %max3A_82 = vector.broadcast %max3A_81 : i32 to vector<16xi32>
      %max3A_83 = arith.maxsi %add3A_80, %max3A_82 : vector<16xi32>
      %min3A_84 = arith.constant 511 : i32
      %min3A_85 = vector.broadcast %min3A_84 : i32 to vector<16xi32>
      %min3A_86 = arith.minsi %max3A_83, %min3A_85 : vector<16xi32>
      %swap3A_87 = arith.constant 48 : index
      %swap3A_88 = tpu.vector_load %arg7[%swap3A_87] {strides = array<i32>} : memref<272xi32, #tpu.memory_space<vmem>>, vector<16xi32>,
      %swap3A_89 = vector.shape_cast %swap3A_88 : vector<16xi32> to vector<16xi32>
      %swap3A_90 = vector.shape_cast %min3A_86 : vector<16xi32> to vector<16xi32>
      tpu.vector_store %arg7[%swap3A_87], %swap3A_90 {strides = array<i32>} : memref<272xi32, #tpu.memory_space<vmem>>, vector<16xi32>,
      %iota3A_91 = tpu.iota {dimensions = array<i32: 0>} : vector<16xi32>
      %add3A_92 = arith.constant 63 : i32
      %add3A_93 = vector.broadcast %add3A_92 : i32 to vector<16xi32>
      %add3A_94 = arith.addi %iota3A_91, %add3A_93 : vector<16xi32>
      %max3A_95 = arith.constant 0 : i32
      %max3A_96 = vector.broadcast %max3A_95 : i32 to vector<16xi32>
      %max3A_97 = arith.maxsi %add3A_94, %max3A_96 : vector<16xi32>
      %min3A_98 = arith.constant 511 : i32
      %min3A_99 = vector.broadcast %min3A_98 : i32 to vector<16xi32>
      %min3A_100 = arith.minsi %max3A_97, %min3A_99 : vector<16xi32>
      %swap3A_101 = arith.constant 64 : index
      %swap3A_102 = tpu.vector_load %arg7[%swap3A_101] {strides = array<i32>} : memref<272xi32, #tpu.memory_space<vmem>>, vector<16xi32>,
      %swap3A_103 = vector.shape_cast %swap3A_102 : vector<16xi32> to vector<16xi32>
      %swap3A_104 = vector.shape_cast %min3A_100 : vector<16xi32> to vector<16xi32>
      tpu.vector_store %arg7[%swap3A_101], %swap3A_104 {strides = array<i32>} : memref<272xi32, #tpu.memory_space<vmem>>, vector<16xi32>,
      %iota3A_105 = tpu.iota {dimensions = array<i32: 0>} : vector<16xi32>
      %add3A_106 = arith.constant 79 : i32
      %add3A_107 = vector.broadcast %add3A_106 : i32 to vector<16xi32>
      %add3A_108 = arith.addi %iota3A_105, %add3A_107 : vector<16xi32>
      %max3A_109 = arith.constant 0 : i32
      %max3A_110 = vector.broadcast %max3A_109 : i32 to vector<16xi32>
      %max3A_111 = arith.maxsi %add3A_108, %max3A_110 : vector<16xi32>
      %min3A_112 = arith.constant 511 : i32
      %min3A_113 = vector.broadcast %min3A_112 : i32 to vector<16xi32>
      %min3A_114 = arith.minsi %max3A_111, %min3A_113 : vector<16xi32>
      %swap3A_115 = arith.constant 80 : index
      %swap3A_116 = tpu.vector_load %arg7[%swap3A_115] {strides = array<i32>} : memref<272xi32, #tpu.memory_space<vmem>>, vector<16xi32>,
      %swap3A_117 = vector.shape_cast %swap3A_116 : vector<16xi32> to vector<16xi32>
      %swap3A_118 = vector.shape_cast %min3A_114 : vector<16xi32> to vector<16xi32>
      tpu.vector_store %arg7[%swap3A_115], %swap3A_118 {strides = array<i32>} : memref<272xi32, #tpu.memory_space<vmem>>, vector<16xi32>,
      %iota3A_119 = tpu.iota {dimensions = array<i32: 0>} : vector<16xi32>
      %add3A_120 = arith.constant 95 : i32
      %add3A_121 = vector.broadcast %add3A_120 : i32 to vector<16xi32>
      %add3A_122 = arith.addi %iota3A_119, %add3A_121 : vector<16xi32>
      %max3A_123 = arith.constant 0 : i32
      %max3A_124 = vector.broadcast %max3A_123 : i32 to vector<16xi32>
      %max3A_125 = arith.maxsi %add3A_122, %max3A_124 : vector<16xi32>
      %min3A_126 = arith.constant 511 : i32
      %min3A_127 = vector.broadcast %min3A_126 : i32 to vector<16xi32>
      %min3A_128 = arith.minsi %max3A_125, %min3A_127 : vector<16xi32>
      %swap3A_129 = arith.constant 96 : index
      %swap3A_130 = tpu.vector_load %arg7[%swap3A_129] {strides = array<i32>} : memref<272xi32, #tpu.memory_space<vmem>>, vector<16xi32>,
      %swap3A_131 = vector.shape_cast %swap3A_130 : vector<16xi32> to vector<16xi32>
      %swap3A_132 = vector.shape_cast %min3A_128 : vector<16xi32> to vector<16xi32>
      tpu.vector_store %arg7[%swap3A_129], %swap3A_132 {strides = array<i32>} : memref<272xi32, #tpu.memory_space<vmem>>, vector<16xi32>,
      %iota3A_133 = tpu.iota {dimensions = array<i32: 0>} : vector<16xi32>
      %add3A_134 = arith.constant 111 : i32
      %add3A_135 = vector.broadcast %add3A_134 : i32 to vector<16xi32>
      %add3A_136 = arith.addi %iota3A_133, %add3A_135 : vector<16xi32>
      %max3A_137 = arith.constant 0 : i32
      %max3A_138 = vector.broadcast %max3A_137 : i32 to vector<16xi32>
      %max3A_139 = arith.maxsi %add3A_136, %max3A_138 : vector<16xi32>
      %min3A_140 = arith.constant 511 : i32
      %min3A_141 = vector.broadcast %min3A_140 : i32 to vector<16xi32>
      %min3A_142 = arith.minsi %max3A_139, %min3A_141 : vector<16xi32>
      %swap3A_143 = arith.constant 112 : index
      %swap3A_144 = tpu.vector_load %arg7[%swap3A_143] {strides = array<i32>} : memref<272xi32, #tpu.memory_space<vmem>>, vector<16xi32>,
      %swap3A_145 = vector.shape_cast %swap3A_144 : vector<16xi32> to vector<16xi32>
      %swap3A_146 = vector.shape_cast %min3A_142 : vector<16xi32> to vector<16xi32>
      tpu.vector_store %arg7[%swap3A_143], %swap3A_146 {strides = array<i32>} : memref<272xi32, #tpu.memory_space<vmem>>, vector<16xi32>,
      %iota3A_147 = tpu.iota {dimensions = array<i32: 0>} : vector<16xi32>
      %add3A_148 = arith.constant 127 : i32
      %add3A_149 = vector.broadcast %add3A_148 : i32 to vector<16xi32>
      %add3A_150 = arith.addi %iota3A_147, %add3A_149 : vector<16xi32>
      %max3A_151 = arith.constant 0 : i32
      %max3A_152 = vector.broadcast %max3A_151 : i32 to vector<16xi32>
      %max3A_153 = arith.maxsi %add3A_150, %max3A_152 : vector<16xi32>
      %min3A_154 = arith.constant 511 : i32
      %min3A_155 = vector.broadcast %min3A_154 : i32 to vector<16xi32>
      %min3A_156 = arith.minsi %max3A_153, %min3A_155 : vector<16xi32>
      %swap3A_157 = arith.constant 128 : index
      %swap3A_158 = tpu.vector_load %arg7[%swap3A_157] {strides = array<i32>} : memref<272xi32, #tpu.memory_space<vmem>>, vector<16xi32>,
      %swap3A_159 = vector.shape_cast %swap3A_158 : vector<16xi32> to vector<16xi32>
      %swap3A_160 = vector.shape_cast %min3A_156 : vector<16xi32> to vector<16xi32>
      tpu.vector_store %arg7[%swap3A_157], %swap3A_160 {strides = array<i32>} : memref<272xi32, #tpu.memory_space<vmem>>, vector<16xi32>,
      %iota3A_161 = tpu.iota {dimensions = array<i32: 0>} : vector<16xi32>
      %add3A_162 = arith.constant 143 : i32
      %add3A_163 = vector.broadcast %add3A_162 : i32 to vector<16xi32>
      %add3A_164 = arith.addi %iota3A_161, %add3A_163 : vector<16xi32>
      %max3A_165 = arith.constant 0 : i32
      %max3A_166 = vector.broadcast %max3A_165 : i32 to vector<16xi32>
      %max3A_167 = arith.maxsi %add3A_164, %max3A_166 : vector<16xi32>
      %min3A_168 = arith.constant 511 : i32
      %min3A_169 = vector.broadcast %min3A_168 : i32 to vector<16xi32>
      %min3A_170 = arith.minsi %max3A_167, %min3A_169 : vector<16xi32>
      %swap3A_171 = arith.constant 144 : index
      %swap3A_172 = tpu.vector_load %arg7[%swap3A_171] {strides = array<i32>} : memref<272xi32, #tpu.memory_space<vmem>>, vector<16xi32>,
      %swap3A_173 = vector.shape_cast %swap3A_172 : vector<16xi32> to vector<16xi32>
      %swap3A_174 = vector.shape_cast %min3A_170 : vector<16xi32> to vector<16xi32>
      tpu.vector_store %arg7[%swap3A_171], %swap3A_174 {strides = array<i32>} : memref<272xi32, #tpu.memory_space<vmem>>, vector<16xi32>,
      %iota3A_175 = tpu.iota {dimensions = array<i32: 0>} : vector<16xi32>
      %add3A_176 = arith.constant 159 : i32
      %add3A_177 = vector.broadcast %add3A_176 : i32 to vector<16xi32>
      %add3A_178 = arith.addi %iota3A_175, %add3A_177 : vector<16xi32>
      %max3A_179 = arith.constant 0 : i32
      %max3A_180 = vector.broadcast %max3A_179 : i32 to vector<16xi32>
      %max3A_181 = arith.maxsi %add3A_178, %max3A_180 : vector<16xi32>
      %min3A_182 = arith.constant 511 : i32
      %min3A_183 = vector.broadcast %min3A_182 : i32 to vector<16xi32>
      %min3A_184 = arith.minsi %max3A_181, %min3A_183 : vector<16xi32>
      %swap3A_185 = arith.constant 160 : index
      %swap3A_186 = tpu.vector_load %arg7[%swap3A_185] {strides = array<i32>} : memref<272xi32, #tpu.memory_space<vmem>>, vector<16xi32>,
      %swap3A_187 = vector.shape_cast %swap3A_186 : vector<16xi32> to vector<16xi32>
      %swap3A_188 = vector.shape_cast %min3A_184 : vector<16xi32> to vector<16xi32>
      tpu.vector_store %arg7[%swap3A_185], %swap3A_188 {strides = array<i32>} : memref<272xi32, #tpu.memory_space<vmem>>, vector<16xi32>,
      %iota3A_189 = tpu.iota {dimensions = array<i32: 0>} : vector<16xi32>
      %add3A_190 = arith.constant 175 : i32
      %add3A_191 = vector.broadcast %add3A_190 : i32 to vector<16xi32>
      %add3A_192 = arith.addi %iota3A_189, %add3A_191 : vector<16xi32>
      %max3A_193 = arith.constant 0 : i32
      %max3A_194 = vector.broadcast %max3A_193 : i32 to vector<16xi32>
      %max3A_195 = arith.maxsi %add3A_192, %max3A_194 : vector<16xi32>
      %min3A_196 = arith.constant 511 : i32
      %min3A_197 = vector.broadcast %min3A_196 : i32 to vector<16xi32>
      %min3A_198 = arith.minsi %max3A_195, %min3A_197 : vector<16xi32>
      %swap3A_199 = arith.constant 176 : index
      %swap3A_200 = tpu.vector_load %arg7[%swap3A_199] {strides = array<i32>} : memref<272xi32, #tpu.memory_space<vmem>>, vector<16xi32>,
      %swap3A_201 = vector.shape_cast %swap3A_200 : vector<16xi32> to vector<16xi32>
      %swap3A_202 = vector.shape_cast %min3A_198 : vector<16xi32> to vector<16xi32>
      tpu.vector_store %arg7[%swap3A_199], %swap3A_202 {strides = array<i32>} : memref<272xi32, #tpu.memory_space<vmem>>, vector<16xi32>,
      %iota3A_203 = tpu.iota {dimensions = array<i32: 0>} : vector<16xi32>
      %add3A_204 = arith.constant 191 : i32
      %add3A_205 = vector.broadcast %add3A_204 : i32 to vector<16xi32>
      %add3A_206 = arith.addi %iota3A_203, %add3A_205 : vector<16xi32>
      %max3A_207 = arith.constant 0 : i32
      %max3A_208 = vector.broadcast %max3A_207 : i32 to vector<16xi32>
      %max3A_209 = arith.maxsi %add3A_206, %max3A_208 : vector<16xi32>
      %min3A_210 = arith.constant 511 : i32
      %min3A_211 = vector.broadcast %min3A_210 : i32 to vector<16xi32>
      %min3A_212 = arith.minsi %max3A_209, %min3A_211 : vector<16xi32>
      %swap3A_213 = arith.constant 192 : index
      %swap3A_214 = tpu.vector_load %arg7[%swap3A_213] {strides = array<i32>} : memref<272xi32, #tpu.memory_space<vmem>>, vector<16xi32>,
      %swap3A_215 = vector.shape_cast %swap3A_214 : vector<16xi32> to vector<16xi32>
      %swap3A_216 = vector.shape_cast %min3A_212 : vector<16xi32> to vector<16xi32>
      tpu.vector_store %arg7[%swap3A_213], %swap3A_216 {strides = array<i32>} : memref<272xi32, #tpu.memory_space<vmem>>, vector<16xi32>,
      %iota3A_217 = tpu.iota {dimensions = array<i32: 0>} : vector<16xi32>
      %add3A_218 = arith.constant 207 : i32
      %add3A_219 = vector.broadcast %add3A_218 : i32 to vector<16xi32>
      %add3A_220 = arith.addi %iota3A_217, %add3A_219 : vector<16xi32>
      %max3A_221 = arith.constant 0 : i32
      %max3A_222 = vector.broadcast %max3A_221 : i32 to vector<16xi32>
      %max3A_223 = arith.maxsi %add3A_220, %max3A_222 : vector<16xi32>
      %min3A_224 = arith.constant 511 : i32
      %min3A_225 = vector.broadcast %min3A_224 : i32 to vector<16xi32>
      %min3A_226 = arith.minsi %max3A_223, %min3A_225 : vector<16xi32>
      %swap3A_227 = arith.constant 208 : index
      %swap3A_228 = tpu.vector_load %arg7[%swap3A_227] {strides = array<i32>} : memref<272xi32, #tpu.memory_space<vmem>>, vector<16xi32>,
      %swap3A_229 = vector.shape_cast %swap3A_228 : vector<16xi32> to vector<16xi32>
      %swap3A_230 = vector.shape_cast %min3A_226 : vector<16xi32> to vector<16xi32>
      tpu.vector_store %arg7[%swap3A_227], %swap3A_230 {strides = array<i32>} : memref<272xi32, #tpu.memory_space<vmem>>, vector<16xi32>,
      %iota3A_231 = tpu.iota {dimensions = array<i32: 0>} : vector<16xi32>
      %add3A_232 = arith.constant 223 : i32
      %add3A_233 = vector.broadcast %add3A_232 : i32 to vector<16xi32>
      %add3A_234 = arith.addi %iota3A_231, %add3A_233 : vector<16xi32>
      %max3A_235 = arith.constant 0 : i32
      %max3A_236 = vector.broadcast %max3A_235 : i32 to vector<16xi32>
      %max3A_237 = arith.maxsi %add3A_234, %max3A_236 : vector<16xi32>
      %min3A_238 = arith.constant 511 : i32
      %min3A_239 = vector.broadcast %min3A_238 : i32 to vector<16xi32>
      %min3A_240 = arith.minsi %max3A_237, %min3A_239 : vector<16xi32>
      %swap3A_241 = arith.constant 224 : index
      %swap3A_242 = tpu.vector_load %arg7[%swap3A_241] {strides = array<i32>} : memref<272xi32, #tpu.memory_space<vmem>>, vector<16xi32>,
      %swap3A_243 = vector.shape_cast %swap3A_242 : vector<16xi32> to vector<16xi32>
      %swap3A_244 = vector.shape_cast %min3A_240 : vector<16xi32> to vector<16xi32>
      tpu.vector_store %arg7[%swap3A_241], %swap3A_244 {strides = array<i32>} : memref<272xi32, #tpu.memory_space<vmem>>, vector<16xi32>,
      %iota3A_245 = tpu.iota {dimensions = array<i32: 0>} : vector<16xi32>
      %add3A_246 = arith.constant 239 : i32
      %add3A_247 = vector.broadcast %add3A_246 : i32 to vector<16xi32>
      %add3A_248 = arith.addi %iota3A_245, %add3A_247 : vector<16xi32>
      %max3A_249 = arith.constant 0 : i32
      %max3A_250 = vector.broadcast %max3A_249 : i32 to vector<16xi32>
      %max3A_251 = arith.maxsi %add3A_248, %max3A_250 : vector<16xi32>
      %min3A_252 = arith.constant 511 : i32
      %min3A_253 = vector.broadcast %min3A_252 : i32 to vector<16xi32>
      %min3A_254 = arith.minsi %max3A_251, %min3A_253 : vector<16xi32>
      %swap3A_255 = arith.constant 240 : index
      %swap3A_256 = tpu.vector_load %arg7[%swap3A_255] {strides = array<i32>} : memref<272xi32, #tpu.memory_space<vmem>>, vector<16xi32>,
      %swap3A_257 = vector.shape_cast %swap3A_256 : vector<16xi32> to vector<16xi32>
      %swap3A_258 = vector.shape_cast %min3A_254 : vector<16xi32> to vector<16xi32>
      tpu.vector_store %arg7[%swap3A_255], %swap3A_258 {strides = array<i32>} : memref<272xi32, #tpu.memory_space<vmem>>, vector<16xi32>,
      %iota3A_259 = tpu.iota {dimensions = array<i32: 0>} : vector<16xi32>
      %add3A_260 = arith.constant 255 : i32
      %add3A_261 = vector.broadcast %add3A_260 : i32 to vector<16xi32>
      %add3A_262 = arith.addi %iota3A_259, %add3A_261 : vector<16xi32>
      %max3A_263 = arith.constant 0 : i32
      %max3A_264 = vector.broadcast %max3A_263 : i32 to vector<16xi32>
      %max3A_265 = arith.maxsi %add3A_262, %max3A_264 : vector<16xi32>
      %min3A_266 = arith.constant 511 : i32
      %min3A_267 = vector.broadcast %min3A_266 : i32 to vector<16xi32>
      %min3A_268 = arith.minsi %max3A_265, %min3A_267 : vector<16xi32>
      %swap3A_269 = arith.constant 256 : index
      %swap3A_270 = tpu.vector_load %arg7[%swap3A_269] {strides = array<i32>} : memref<272xi32, #tpu.memory_space<vmem>>, vector<16xi32>,
      %swap3A_271 = vector.shape_cast %swap3A_270 : vector<16xi32> to vector<16xi32>
      %swap3A_272 = vector.shape_cast %min3A_268 : vector<16xi32> to vector<16xi32>
      tpu.vector_store %arg7[%swap3A_269], %swap3A_272 {strides = array<i32>} : memref<272xi32, #tpu.memory_space<vmem>>, vector<16xi32>,
      %dma_start3A = arith.constant 0 : i32
      %dma_start3A_273 = arith.constant 0 : i32
      %dma_start3A_274 = arith.constant 0 : i32
      %dma_start3A_275 = tpu.memref_slice %arg5[%dma_start3A_273, %dma_start3A_274] : memref<80x768xf32, #tpu.memory_space<vmem>> -> memref<64x768xf32, #tpu.memory_space<vmem>>
      %dma_start3A_276 = arith.constant 0 : i32
      %dma_start3A_277 = tpu.memref_slice %arg7[%dma_start3A_276] : memref<272xi32, #tpu.memory_space<vmem>> -> memref<64xi32, #tpu.memory_space<vmem>>
      %dma_start3A_278 = arith.constant 0 : i32
      %dma_start3A_279 = arith.constant 0 : i32
      %dma_start3A_280 = tpu.memref_slice %arg2[%select_n3A, %dma_start3A_278, %dma_start3A_279] : memref<16x512x768xf32, #tpu.memory_space<hbm>> -> memref<1x512x768xf32, #tpu.memory_space<hbm>>
      %dma_start3A_281 = tpu.memref_squeeze %dma_start3A_280 : memref<1x512x768xf32, #tpu.memory_space<hbm>> -> memref<512x768xf32, #tpu.memory_space<hbm>>
      %dma_start3A_282 = arith.constant 0 : i32
      %dma_start3A_283 = arith.constant 0 : i32
      %dma_start3A_284 = tpu.memref_slice %dma_start3A_281[%dma_start3A_282, %dma_start3A_283] : memref<512x768xf32, #tpu.memory_space<hbm>> -> memref<512x768xf32, #tpu.memory_space<hbm>>
      %dma_start3A_285 = tpu.memref_slice %arg8[%dma_start3A] : memref<4x!tpu.dma_semaphore, #tpu.memory_space<semaphore_mem>> -> memref<1x!tpu.dma_semaphore, #tpu.memory_space<semaphore_mem>>
      %dma_start3A_286 = tpu.memref_squeeze %dma_start3A_285 : memref<1x!tpu.dma_semaphore, #tpu.memory_space<semaphore_mem>> -> memref<!tpu.dma_semaphore, #tpu.memory_space<semaphore_mem>>
      tpu.enqueue_indirect_dma source(%dma_start3A_284 : memref<512x768xf32, #tpu.memory_space<hbm>>) target(%dma_start3A_275 : memref<64x768xf32, #tpu.memory_space<vmem>>) offsets(%dma_start3A_277 : memref<64xi32, #tpu.memory_space<vmem>>) semaphore(%dma_start3A_286 : memref<!tpu.dma_semaphore, #tpu.memory_space<semaphore_mem>>)
      %dma_start3A_287 = arith.constant 1 : i32
      %dma_start3A_288 = arith.constant 0 : i32
      %dma_start3A_289 = arith.constant 0 : i32
      %dma_start3A_290 = tpu.memref_slice %arg6[%dma_start3A_288, %dma_start3A_289] : memref<80x768xf32, #tpu.memory_space<vmem>> -> memref<64x768xf32, #tpu.memory_space<vmem>>
      %dma_start3A_291 = arith.constant 64 : i32
      %dma_start3A_292 = tpu.memref_slice %arg7[%dma_start3A_291] : memref<272xi32, #tpu.memory_space<vmem>> -> memref<64xi32, #tpu.memory_space<vmem>>
      %dma_start3A_293 = arith.constant 0 : i32
      %dma_start3A_294 = arith.constant 0 : i32
      %dma_start3A_295 = tpu.memref_slice %arg2[%select_n3A, %dma_start3A_293, %dma_start3A_294] : memref<16x512x768xf32, #tpu.memory_space<hbm>> -> memref<1x512x768xf32, #tpu.memory_space<hbm>>
      %dma_start3A_296 = tpu.memref_squeeze %dma_start3A_295 : memref<1x512x768xf32, #tpu.memory_space<hbm>> -> memref<512x768xf32, #tpu.memory_space<hbm>>
      %dma_start3A_297 = arith.constant 0 : i32
      %dma_start3A_298 = arith.constant 0 : i32
      %dma_start3A_299 = tpu.memref_slice %dma_start3A_296[%dma_start3A_297, %dma_start3A_298] : memref<512x768xf32, #tpu.memory_space<hbm>> -> memref<512x768xf32, #tpu.memory_space<hbm>>
      %dma_start3A_300 = tpu.memref_slice %arg8[%dma_start3A_287] : memref<4x!tpu.dma_semaphore, #tpu.memory_space<semaphore_mem>> -> memref<1x!tpu.dma_semaphore, #tpu.memory_space<semaphore_mem>>
      %dma_start3A_301 = tpu.memref_squeeze %dma_start3A_300 : memref<1x!tpu.dma_semaphore, #tpu.memory_space<semaphore_mem>> -> memref<!tpu.dma_semaphore, #tpu.memory_space<semaphore_mem>>
      tpu.enqueue_indirect_dma source(%dma_start3A_299 : memref<512x768xf32, #tpu.memory_space<hbm>>) target(%dma_start3A_290 : memref<64x768xf32, #tpu.memory_space<vmem>>) offsets(%dma_start3A_292 : memref<64xi32, #tpu.memory_space<vmem>>) semaphore(%dma_start3A_301 : memref<!tpu.dma_semaphore, #tpu.memory_space<semaphore_mem>>)
      %dma_wait3A = arith.constant 0 : i32
      %dma_wait3A_302 = arith.constant 0 : i32
      %dma_wait3A_303 = arith.constant 0 : i32
      %dma_wait3A_304 = tpu.memref_slice %arg5[%dma_wait3A_302, %dma_wait3A_303] : memref<80x768xf32, #tpu.memory_space<vmem>> -> memref<64x768xf32, #tpu.memory_space<vmem>>
      %dma_wait3A_305 = arith.constant 0 : i32
      %dma_wait3A_306 = tpu.memref_slice %arg7[%dma_wait3A_305] : memref<272xi32, #tpu.memory_space<vmem>> -> memref<64xi32, #tpu.memory_space<vmem>>
      %dma_wait3A_307 = arith.constant 0 : i32
      %dma_wait3A_308 = arith.constant 0 : i32
      %dma_wait3A_309 = tpu.memref_slice %arg2[%select_n3A, %dma_wait3A_307, %dma_wait3A_308] : memref<16x512x768xf32, #tpu.memory_space<hbm>> -> memref<1x512x768xf32, #tpu.memory_space<hbm>>
      %dma_wait3A_310 = tpu.memref_squeeze %dma_wait3A_309 : memref<1x512x768xf32, #tpu.memory_space<hbm>> -> memref<512x768xf32, #tpu.memory_space<hbm>>
      %dma_wait3A_311 = arith.constant 0 : i32
      %dma_wait3A_312 = arith.constant 0 : i32
      %dma_wait3A_313 = tpu.memref_slice %dma_wait3A_310[%dma_wait3A_311, %dma_wait3A_312] : memref<512x768xf32, #tpu.memory_space<hbm>> -> memref<512x768xf32, #tpu.memory_space<hbm>>
      %dma_wait3A_314 = tpu.memref_slice %arg8[%dma_wait3A] : memref<4x!tpu.dma_semaphore, #tpu.memory_space<semaphore_mem>> -> memref<1x!tpu.dma_semaphore, #tpu.memory_space<semaphore_mem>>
      %dma_wait3A_315 = tpu.memref_squeeze %dma_wait3A_314 : memref<1x!tpu.dma_semaphore, #tpu.memory_space<semaphore_mem>> -> memref<!tpu.dma_semaphore, #tpu.memory_space<semaphore_mem>>
      tpu.wait_indirect_dma semaphore(%dma_wait3A_315 : memref<!tpu.dma_semaphore, #tpu.memory_space<semaphore_mem>>) src(%dma_wait3A_313 : memref<512x768xf32, #tpu.memory_space<hbm>>) dst(%dma_wait3A_304 : memref<64x768xf32, #tpu.memory_space<vmem>>)
      "tpu.region"() ({
        %run_scoped3A = tpu.sem_alloc : memref<!tpu.dma_semaphore, #tpu.memory_space<semaphore_mem>>
        %dma_start3A_527 = arith.constant 0 : i32
        %dma_start3A_528 = arith.constant 0 : i32
        %dma_start3A_529 = tpu.memref_slice %arg5[%dma_start3A_527, %dma_start3A_528] : memref<80x768xf32, #tpu.memory_space<vmem>> -> memref<1x768xf32, #tpu.memory_space<vmem>>
        %dma_start3A_530 = arith.constant 0 : i32
        %dma_start3A_531 = arith.constant 0 : i32
        %dma_start3A_532 = tpu.memref_slice %arg5[%dma_start3A_530, %dma_start3A_531] : memref<80x768xf32, #tpu.memory_space<vmem>> -> memref<1x768xf32, #tpu.memory_space<vmem>>
        tpu.enqueue_dma source(%arg3 : memref<1x768xf32, #tpu.memory_space<hbm>>) target(%dma_start3A_532 : memref<1x768xf32, #tpu.memory_space<vmem>>) target_semaphore(%run_scoped3A : memref<!tpu.dma_semaphore, #tpu.memory_space<semaphore_mem>>)
        %dma_wait3A_533 = arith.constant 0 : i32
        %dma_wait3A_534 = arith.constant 0 : i32
        %dma_wait3A_535 = tpu.memref_slice %arg5[%dma_wait3A_533, %dma_wait3A_534] : memref<80x768xf32, #tpu.memory_space<vmem>> -> memref<1x768xf32, #tpu.memory_space<vmem>>
        %dma_wait3A_536 = arith.constant 0 : i32
        %dma_wait3A_537 = arith.constant 0 : i32
        %dma_wait3A_538 = tpu.memref_slice %arg5[%dma_wait3A_536, %dma_wait3A_537] : memref<80x768xf32, #tpu.memory_space<vmem>> -> memref<1x768xf32, #tpu.memory_space<vmem>>
        tpu.wait_dma2 semaphore(%run_scoped3A : memref<!tpu.dma_semaphore, #tpu.memory_space<semaphore_mem>>) src(%arg3 : memref<1x768xf32, #tpu.memory_space<hbm>>) dst(%dma_wait3A_538 : memref<1x768xf32, #tpu.memory_space<vmem>>)
        tpu.yield
      }) : () -> ()
      %dma_start3A_316 = arith.constant 0 : i32
      %dma_start3A_317 = arith.constant 0 : i32
      %dma_start3A_318 = arith.constant 0 : i32
      %dma_start3A_319 = tpu.memref_slice %arg5[%dma_start3A_317, %dma_start3A_318] : memref<80x768xf32, #tpu.memory_space<vmem>> -> memref<64x768xf32, #tpu.memory_space<vmem>>
      %dma_start3A_320 = arith.constant 0 : i32
      %dma_start3A_321 = arith.constant 0 : i32
      %dma_start3A_322 = tpu.memref_slice %arg4[%select_n3A, %dma_start3A_320, %dma_start3A_321] : memref<16x513x768xf32, #tpu.memory_space<hbm>> -> memref<1x64x768xf32, #tpu.memory_space<hbm>>
      %dma_start3A_323 = tpu.memref_squeeze %dma_start3A_322 : memref<1x64x768xf32, #tpu.memory_space<hbm>> -> memref<64x768xf32, #tpu.memory_space<hbm>>
      %dma_start3A_324 = tpu.memref_slice %arg9[%dma_start3A_316] : memref<5x!tpu.dma_semaphore, #tpu.memory_space<semaphore_mem>> -> memref<1x!tpu.dma_semaphore, #tpu.memory_space<semaphore_mem>>
      %dma_start3A_325 = tpu.memref_squeeze %dma_start3A_324 : memref<1x!tpu.dma_semaphore, #tpu.memory_space<semaphore_mem>> -> memref<!tpu.dma_semaphore, #tpu.memory_space<semaphore_mem>>
      %dma_start3A_326 = arith.constant 0 : i32
      %dma_start3A_327 = arith.constant 0 : i32
      %dma_start3A_328 = tpu.memref_slice %arg4[%select_n3A, %dma_start3A_326, %dma_start3A_327] : memref<16x513x768xf32, #tpu.memory_space<hbm>> -> memref<1x64x768xf32, #tpu.memory_space<hbm>>
      %dma_start3A_329 = tpu.memref_squeeze %dma_start3A_328 : memref<1x64x768xf32, #tpu.memory_space<hbm>> -> memref<64x768xf32, #tpu.memory_space<hbm>>
      %dma_start3A_330 = arith.constant 0 : i32
      %dma_start3A_331 = arith.constant 0 : i32
      %dma_start3A_332 = tpu.memref_slice %arg5[%dma_start3A_330, %dma_start3A_331] : memref<80x768xf32, #tpu.memory_space<vmem>> -> memref<64x768xf32, #tpu.memory_space<vmem>>
      tpu.enqueue_dma source(%dma_start3A_332 : memref<64x768xf32, #tpu.memory_space<vmem>>) target(%dma_start3A_329 : memref<64x768xf32, #tpu.memory_space<hbm>>) target_semaphore(%dma_start3A_325 : memref<!tpu.dma_semaphore, #tpu.memory_space<semaphore_mem>>)
      %dma_wait3A_333 = arith.constant 1 : i32
      %dma_wait3A_334 = arith.constant 0 : i32
      %dma_wait3A_335 = arith.constant 0 : i32
      %dma_wait3A_336 = tpu.memref_slice %arg6[%dma_wait3A_334, %dma_wait3A_335] : memref<80x768xf32, #tpu.memory_space<vmem>> -> memref<64x768xf32, #tpu.memory_space<vmem>>
      %dma_wait3A_337 = arith.constant 64 : i32
      %dma_wait3A_338 = tpu.memref_slice %arg7[%dma_wait3A_337] : memref<272xi32, #tpu.memory_space<vmem>> -> memref<64xi32, #tpu.memory_space<vmem>>
      %dma_wait3A_339 = arith.constant 0 : i32
      %dma_wait3A_340 = arith.constant 0 : i32
      %dma_wait3A_341 = tpu.memref_slice %arg2[%select_n3A, %dma_wait3A_339, %dma_wait3A_340] : memref<16x512x768xf32, #tpu.memory_space<hbm>> -> memref<1x512x768xf32, #tpu.memory_space<hbm>>
      %dma_wait3A_342 = tpu.memref_squeeze %dma_wait3A_341 : memref<1x512x768xf32, #tpu.memory_space<hbm>> -> memref<512x768xf32, #tpu.memory_space<hbm>>
      %dma_wait3A_343 = arith.constant 0 : i32
      %dma_wait3A_344 = arith.constant 0 : i32
      %dma_wait3A_345 = tpu.memref_slice %dma_wait3A_342[%dma_wait3A_343, %dma_wait3A_344] : memref<512x768xf32, #tpu.memory_space<hbm>> -> memref<512x768xf32, #tpu.memory_space<hbm>>
      %dma_wait3A_346 = tpu.memref_slice %arg8[%dma_wait3A_333] : memref<4x!tpu.dma_semaphore, #tpu.memory_space<semaphore_mem>> -> memref<1x!tpu.dma_semaphore, #tpu.memory_space<semaphore_mem>>
      %dma_wait3A_347 = tpu.memref_squeeze %dma_wait3A_346 : memref<1x!tpu.dma_semaphore, #tpu.memory_space<semaphore_mem>> -> memref<!tpu.dma_semaphore, #tpu.memory_space<semaphore_mem>>
      tpu.wait_indirect_dma semaphore(%dma_wait3A_347 : memref<!tpu.dma_semaphore, #tpu.memory_space<semaphore_mem>>) src(%dma_wait3A_345 : memref<512x768xf32, #tpu.memory_space<hbm>>) dst(%dma_wait3A_336 : memref<64x768xf32, #tpu.memory_space<vmem>>)
      %dma_start3A_348 = arith.constant 1 : i32
      %dma_start3A_349 = arith.constant 0 : i32
      %dma_start3A_350 = arith.constant 0 : i32
      %dma_start3A_351 = tpu.memref_slice %arg6[%dma_start3A_349, %dma_start3A_350] : memref<80x768xf32, #tpu.memory_space<vmem>> -> memref<64x768xf32, #tpu.memory_space<vmem>>
      %dma_start3A_352 = arith.constant 64 : i32
      %dma_start3A_353 = arith.constant 0 : i32
      %dma_start3A_354 = tpu.memref_slice %arg4[%select_n3A, %dma_start3A_352, %dma_start3A_353] : memref<16x513x768xf32, #tpu.memory_space<hbm>> -> memref<1x64x768xf32, #tpu.memory_space<hbm>>
      %dma_start3A_355 = tpu.memref_squeeze %dma_start3A_354 : memref<1x64x768xf32, #tpu.memory_space<hbm>> -> memref<64x768xf32, #tpu.memory_space<hbm>>
      %dma_start3A_356 = tpu.memref_slice %arg9[%dma_start3A_348] : memref<5x!tpu.dma_semaphore, #tpu.memory_space<semaphore_mem>> -> memref<1x!tpu.dma_semaphore, #tpu.memory_space<semaphore_mem>>
      %dma_start3A_357 = tpu.memref_squeeze %dma_start3A_356 : memref<1x!tpu.dma_semaphore, #tpu.memory_space<semaphore_mem>> -> memref<!tpu.dma_semaphore, #tpu.memory_space<semaphore_mem>>
      %dma_start3A_358 = arith.constant 64 : i32
      %dma_start3A_359 = arith.constant 0 : i32
      %dma_start3A_360 = tpu.memref_slice %arg4[%select_n3A, %dma_start3A_358, %dma_start3A_359] : memref<16x513x768xf32, #tpu.memory_space<hbm>> -> memref<1x64x768xf32, #tpu.memory_space<hbm>>
      %dma_start3A_361 = tpu.memref_squeeze %dma_start3A_360 : memref<1x64x768xf32, #tpu.memory_space<hbm>> -> memref<64x768xf32, #tpu.memory_space<hbm>>
      %dma_start3A_362 = arith.constant 0 : i32
      %dma_start3A_363 = arith.constant 0 : i32
      %dma_start3A_364 = tpu.memref_slice %arg6[%dma_start3A_362, %dma_start3A_363] : memref<80x768xf32, #tpu.memory_space<vmem>> -> memref<64x768xf32, #tpu.memory_space<vmem>>
      tpu.enqueue_dma source(%dma_start3A_364 : memref<64x768xf32, #tpu.memory_space<vmem>>) target(%dma_start3A_361 : memref<64x768xf32, #tpu.memory_space<hbm>>) target_semaphore(%dma_start3A_357 : memref<!tpu.dma_semaphore, #tpu.memory_space<semaphore_mem>>)
      %dma_wait3A_365 = arith.constant 0 : i32
      %dma_wait3A_366 = arith.constant 0 : i32
      %dma_wait3A_367 = arith.constant 0 : i32
      %dma_wait3A_368 = tpu.memref_slice %arg5[%dma_wait3A_366, %dma_wait3A_367] : memref<80x768xf32, #tpu.memory_space<vmem>> -> memref<64x768xf32, #tpu.memory_space<vmem>>
      %dma_wait3A_369 = arith.constant 0 : i32
      %dma_wait3A_370 = arith.constant 0 : i32
      %dma_wait3A_371 = tpu.memref_slice %arg4[%select_n3A, %dma_wait3A_369, %dma_wait3A_370] : memref<16x513x768xf32, #tpu.memory_space<hbm>> -> memref<1x64x768xf32, #tpu.memory_space<hbm>>
      %dma_wait3A_372 = tpu.memref_squeeze %dma_wait3A_371 : memref<1x64x768xf32, #tpu.memory_space<hbm>> -> memref<64x768xf32, #tpu.memory_space<hbm>>
      %dma_wait3A_373 = tpu.memref_slice %arg9[%dma_wait3A_365] : memref<5x!tpu.dma_semaphore, #tpu.memory_space<semaphore_mem>> -> memref<1x!tpu.dma_semaphore, #tpu.memory_space<semaphore_mem>>
      %dma_wait3A_374 = tpu.memref_squeeze %dma_wait3A_373 : memref<1x!tpu.dma_semaphore, #tpu.memory_space<semaphore_mem>> -> memref<!tpu.dma_semaphore, #tpu.memory_space<semaphore_mem>>
      %dma_wait3A_375 = arith.constant 0 : i32
      %dma_wait3A_376 = arith.constant 0 : i32
      %dma_wait3A_377 = tpu.memref_slice %arg4[%select_n3A, %dma_wait3A_375, %dma_wait3A_376] : memref<16x513x768xf32, #tpu.memory_space<hbm>> -> memref<1x64x768xf32, #tpu.memory_space<hbm>>
      %dma_wait3A_378 = tpu.memref_squeeze %dma_wait3A_377 : memref<1x64x768xf32, #tpu.memory_space<hbm>> -> memref<64x768xf32, #tpu.memory_space<hbm>>
      %dma_wait3A_379 = arith.constant 0 : i32
      %dma_wait3A_380 = arith.constant 0 : i32
      %dma_wait3A_381 = tpu.memref_slice %arg5[%dma_wait3A_379, %dma_wait3A_380] : memref<80x768xf32, #tpu.memory_space<vmem>> -> memref<64x768xf32, #tpu.memory_space<vmem>>
      tpu.wait_dma2 semaphore(%dma_wait3A_374 : memref<!tpu.dma_semaphore, #tpu.memory_space<semaphore_mem>>) src(%dma_wait3A_381 : memref<64x768xf32, #tpu.memory_space<vmem>>) dst(%dma_wait3A_378 : memref<64x768xf32, #tpu.memory_space<hbm>>)
      %dma_start3A_382 = arith.constant 2 : i32
      %dma_start3A_383 = arith.constant 0 : i32
      %dma_start3A_384 = arith.constant 0 : i32
      %dma_start3A_385 = tpu.memref_slice %arg5[%dma_start3A_383, %dma_start3A_384] : memref<80x768xf32, #tpu.memory_space<vmem>> -> memref<64x768xf32, #tpu.memory_space<vmem>>
      %dma_start3A_386 = arith.constant 128 : i32
      %dma_start3A_387 = tpu.memref_slice %arg7[%dma_start3A_386] : memref<272xi32, #tpu.memory_space<vmem>> -> memref<64xi32, #tpu.memory_space<vmem>>
      %dma_start3A_388 = arith.constant 0 : i32
      %dma_start3A_389 = arith.constant 0 : i32
      %dma_start3A_390 = tpu.memref_slice %arg2[%select_n3A, %dma_start3A_388, %dma_start3A_389] : memref<16x512x768xf32, #tpu.memory_space<hbm>> -> memref<1x512x768xf32, #tpu.memory_space<hbm>>
      %dma_start3A_391 = tpu.memref_squeeze %dma_start3A_390 : memref<1x512x768xf32, #tpu.memory_space<hbm>> -> memref<512x768xf32, #tpu.memory_space<hbm>>
      %dma_start3A_392 = arith.constant 0 : i32
      %dma_start3A_393 = arith.constant 0 : i32
      %dma_start3A_394 = tpu.memref_slice %dma_start3A_391[%dma_start3A_392, %dma_start3A_393] : memref<512x768xf32, #tpu.memory_space<hbm>> -> memref<512x768xf32, #tpu.memory_space<hbm>>
      %dma_start3A_395 = tpu.memref_slice %arg8[%dma_start3A_382] : memref<4x!tpu.dma_semaphore, #tpu.memory_space<semaphore_mem>> -> memref<1x!tpu.dma_semaphore, #tpu.memory_space<semaphore_mem>>
      %dma_start3A_396 = tpu.memref_squeeze %dma_start3A_395 : memref<1x!tpu.dma_semaphore, #tpu.memory_space<semaphore_mem>> -> memref<!tpu.dma_semaphore, #tpu.memory_space<semaphore_mem>>
      tpu.enqueue_indirect_dma source(%dma_start3A_394 : memref<512x768xf32, #tpu.memory_space<hbm>>) target(%dma_start3A_385 : memref<64x768xf32, #tpu.memory_space<vmem>>) offsets(%dma_start3A_387 : memref<64xi32, #tpu.memory_space<vmem>>) semaphore(%dma_start3A_396 : memref<!tpu.dma_semaphore, #tpu.memory_space<semaphore_mem>>)
      %dma_wait3A_397 = arith.constant 1 : i32
      %dma_wait3A_398 = arith.constant 0 : i32
      %dma_wait3A_399 = arith.constant 0 : i32
      %dma_wait3A_400 = tpu.memref_slice %arg6[%dma_wait3A_398, %dma_wait3A_399] : memref<80x768xf32, #tpu.memory_space<vmem>> -> memref<64x768xf32, #tpu.memory_space<vmem>>
      %dma_wait3A_401 = arith.constant 64 : i32
      %dma_wait3A_402 = arith.constant 0 : i32
      %dma_wait3A_403 = tpu.memref_slice %arg4[%select_n3A, %dma_wait3A_401, %dma_wait3A_402] : memref<16x513x768xf32, #tpu.memory_space<hbm>> -> memref<1x64x768xf32, #tpu.memory_space<hbm>>
      %dma_wait3A_404 = tpu.memref_squeeze %dma_wait3A_403 : memref<1x64x768xf32, #tpu.memory_space<hbm>> -> memref<64x768xf32, #tpu.memory_space<hbm>>
      %dma_wait3A_405 = tpu.memref_slice %arg9[%dma_wait3A_397] : memref<5x!tpu.dma_semaphore, #tpu.memory_space<semaphore_mem>> -> memref<1x!tpu.dma_semaphore, #tpu.memory_space<semaphore_mem>>
      %dma_wait3A_406 = tpu.memref_squeeze %dma_wait3A_405 : memref<1x!tpu.dma_semaphore, #tpu.memory_space<semaphore_mem>> -> memref<!tpu.dma_semaphore, #tpu.memory_space<semaphore_mem>>
      %dma_wait3A_407 = arith.constant 64 : i32
      %dma_wait3A_408 = arith.constant 0 : i32
      %dma_wait3A_409 = tpu.memref_slice %arg4[%select_n3A, %dma_wait3A_407, %dma_wait3A_408] : memref<16x513x768xf32, #tpu.memory_space<hbm>> -> memref<1x64x768xf32, #tpu.memory_space<hbm>>
      %dma_wait3A_410 = tpu.memref_squeeze %dma_wait3A_409 : memref<1x64x768xf32, #tpu.memory_space<hbm>> -> memref<64x768xf32, #tpu.memory_space<hbm>>
      %dma_wait3A_411 = arith.constant 0 : i32
      %dma_wait3A_412 = arith.constant 0 : i32
      %dma_wait3A_413 = tpu.memref_slice %arg6[%dma_wait3A_411, %dma_wait3A_412] : memref<80x768xf32, #tpu.memory_space<vmem>> -> memref<64x768xf32, #tpu.memory_space<vmem>>
      tpu.wait_dma2 semaphore(%dma_wait3A_406 : memref<!tpu.dma_semaphore, #tpu.memory_space<semaphore_mem>>) src(%dma_wait3A_413 : memref<64x768xf32, #tpu.memory_space<vmem>>) dst(%dma_wait3A_410 : memref<64x768xf32, #tpu.memory_space<hbm>>)
      %dma_start3A_414 = arith.constant 3 : i32
      %dma_start3A_415 = arith.constant 0 : i32
      %dma_start3A_416 = arith.constant 0 : i32
      %dma_start3A_417 = tpu.memref_slice %arg6[%dma_start3A_415, %dma_start3A_416] : memref<80x768xf32, #tpu.memory_space<vmem>> -> memref<64x768xf32, #tpu.memory_space<vmem>>
      %dma_start3A_418 = arith.constant 192 : i32
      %dma_start3A_419 = tpu.memref_slice %arg7[%dma_start3A_418] : memref<272xi32, #tpu.memory_space<vmem>> -> memref<64xi32, #tpu.memory_space<vmem>>
      %dma_start3A_420 = arith.constant 0 : i32
      %dma_start3A_421 = arith.constant 0 : i32
      %dma_start3A_422 = tpu.memref_slice %arg2[%select_n3A, %dma_start3A_420, %dma_start3A_421] : memref<16x512x768xf32, #tpu.memory_space<hbm>> -> memref<1x512x768xf32, #tpu.memory_space<hbm>>
      %dma_start3A_423 = tpu.memref_squeeze %dma_start3A_422 : memref<1x512x768xf32, #tpu.memory_space<hbm>> -> memref<512x768xf32, #tpu.memory_space<hbm>>
      %dma_start3A_424 = arith.constant 0 : i32
      %dma_start3A_425 = arith.constant 0 : i32
      %dma_start3A_426 = tpu.memref_slice %dma_start3A_423[%dma_start3A_424, %dma_start3A_425] : memref<512x768xf32, #tpu.memory_space<hbm>> -> memref<512x768xf32, #tpu.memory_space<hbm>>
      %dma_start3A_427 = tpu.memref_slice %arg8[%dma_start3A_414] : memref<4x!tpu.dma_semaphore, #tpu.memory_space<semaphore_mem>> -> memref<1x!tpu.dma_semaphore, #tpu.memory_space<semaphore_mem>>
      %dma_start3A_428 = tpu.memref_squeeze %dma_start3A_427 : memref<1x!tpu.dma_semaphore, #tpu.memory_space<semaphore_mem>> -> memref<!tpu.dma_semaphore, #tpu.memory_space<semaphore_mem>>
      tpu.enqueue_indirect_dma source(%dma_start3A_426 : memref<512x768xf32, #tpu.memory_space<hbm>>) target(%dma_start3A_417 : memref<64x768xf32, #tpu.memory_space<vmem>>) offsets(%dma_start3A_419 : memref<64xi32, #tpu.memory_space<vmem>>) semaphore(%dma_start3A_428 : memref<!tpu.dma_semaphore, #tpu.memory_space<semaphore_mem>>)
      %dma_wait3A_429 = arith.constant 2 : i32
      %dma_wait3A_430 = arith.constant 0 : i32
      %dma_wait3A_431 = arith.constant 0 : i32
      %dma_wait3A_432 = tpu.memref_slice %arg5[%dma_wait3A_430, %dma_wait3A_431] : memref<80x768xf32, #tpu.memory_space<vmem>> -> memref<64x768xf32, #tpu.memory_space<vmem>>
      %dma_wait3A_433 = arith.constant 128 : i32
      %dma_wait3A_434 = tpu.memref_slice %arg7[%dma_wait3A_433] : memref<272xi32, #tpu.memory_space<vmem>> -> memref<64xi32, #tpu.memory_space<vmem>>
      %dma_wait3A_435 = arith.constant 0 : i32
      %dma_wait3A_436 = arith.constant 0 : i32
      %dma_wait3A_437 = tpu.memref_slice %arg2[%select_n3A, %dma_wait3A_435, %dma_wait3A_436] : memref<16x512x768xf32, #tpu.memory_space<hbm>> -> memref<1x512x768xf32, #tpu.memory_space<hbm>>
      %dma_wait3A_438 = tpu.memref_squeeze %dma_wait3A_437 : memref<1x512x768xf32, #tpu.memory_space<hbm>> -> memref<512x768xf32, #tpu.memory_space<hbm>>
      %dma_wait3A_439 = arith.constant 0 : i32
      %dma_wait3A_440 = arith.constant 0 : i32
      %dma_wait3A_441 = tpu.memref_slice %dma_wait3A_438[%dma_wait3A_439, %dma_wait3A_440] : memref<512x768xf32, #tpu.memory_space<hbm>> -> memref<512x768xf32, #tpu.memory_space<hbm>>
      %dma_wait3A_442 = tpu.memref_slice %arg8[%dma_wait3A_429] : memref<4x!tpu.dma_semaphore, #tpu.memory_space<semaphore_mem>> -> memref<1x!tpu.dma_semaphore, #tpu.memory_space<semaphore_mem>>
      %dma_wait3A_443 = tpu.memref_squeeze %dma_wait3A_442 : memref<1x!tpu.dma_semaphore, #tpu.memory_space<semaphore_mem>> -> memref<!tpu.dma_semaphore, #tpu.memory_space<semaphore_mem>>
      tpu.wait_indirect_dma semaphore(%dma_wait3A_443 : memref<!tpu.dma_semaphore, #tpu.memory_space<semaphore_mem>>) src(%dma_wait3A_441 : memref<512x768xf32, #tpu.memory_space<hbm>>) dst(%dma_wait3A_432 : memref<64x768xf32, #tpu.memory_space<vmem>>)
      %dma_start3A_444 = arith.constant 2 : i32
      %dma_start3A_445 = arith.constant 0 : i32
      %dma_start3A_446 = arith.constant 0 : i32
      %dma_start3A_447 = tpu.memref_slice %arg5[%dma_start3A_445, %dma_start3A_446] : memref<80x768xf32, #tpu.memory_space<vmem>> -> memref<64x768xf32, #tpu.memory_space<vmem>>
      %dma_start3A_448 = arith.constant 128 : i32
      %dma_start3A_449 = arith.constant 0 : i32
      %dma_start3A_450 = tpu.memref_slice %arg4[%select_n3A, %dma_start3A_448, %dma_start3A_449] : memref<16x513x768xf32, #tpu.memory_space<hbm>> -> memref<1x64x768xf32, #tpu.memory_space<hbm>>
      %dma_start3A_451 = tpu.memref_squeeze %dma_start3A_450 : memref<1x64x768xf32, #tpu.memory_space<hbm>> -> memref<64x768xf32, #tpu.memory_space<hbm>>
      %dma_start3A_452 = tpu.memref_slice %arg9[%dma_start3A_444] : memref<5x!tpu.dma_semaphore, #tpu.memory_space<semaphore_mem>> -> memref<1x!tpu.dma_semaphore, #tpu.memory_space<semaphore_mem>>
      %dma_start3A_453 = tpu.memref_squeeze %dma_start3A_452 : memref<1x!tpu.dma_semaphore, #tpu.memory_space<semaphore_mem>> -> memref<!tpu.dma_semaphore, #tpu.memory_space<semaphore_mem>>
      %dma_start3A_454 = arith.constant 128 : i32
      %dma_start3A_455 = arith.constant 0 : i32
      %dma_start3A_456 = tpu.memref_slice %arg4[%select_n3A, %dma_start3A_454, %dma_start3A_455] : memref<16x513x768xf32, #tpu.memory_space<hbm>> -> memref<1x64x768xf32, #tpu.memory_space<hbm>>
      %dma_start3A_457 = tpu.memref_squeeze %dma_start3A_456 : memref<1x64x768xf32, #tpu.memory_space<hbm>> -> memref<64x768xf32, #tpu.memory_space<hbm>>
      %dma_start3A_458 = arith.constant 0 : i32
      %dma_start3A_459 = arith.constant 0 : i32
      %dma_start3A_460 = tpu.memref_slice %arg5[%dma_start3A_458, %dma_start3A_459] : memref<80x768xf32, #tpu.memory_space<vmem>> -> memref<64x768xf32, #tpu.memory_space<vmem>>
      tpu.enqueue_dma source(%dma_start3A_460 : memref<64x768xf32, #tpu.memory_space<vmem>>) target(%dma_start3A_457 : memref<64x768xf32, #tpu.memory_space<hbm>>) target_semaphore(%dma_start3A_453 : memref<!tpu.dma_semaphore, #tpu.memory_space<semaphore_mem>>)
      %dma_wait3A_461 = arith.constant 3 : i32
      %dma_wait3A_462 = arith.constant 0 : i32
      %dma_wait3A_463 = arith.constant 0 : i32
      %dma_wait3A_464 = tpu.memref_slice %arg6[%dma_wait3A_462, %dma_wait3A_463] : memref<80x768xf32, #tpu.memory_space<vmem>> -> memref<64x768xf32, #tpu.memory_space<vmem>>
      %dma_wait3A_465 = arith.constant 192 : i32
      %dma_wait3A_466 = tpu.memref_slice %arg7[%dma_wait3A_465] : memref<272xi32, #tpu.memory_space<vmem>> -> memref<64xi32, #tpu.memory_space<vmem>>
      %dma_wait3A_467 = arith.constant 0 : i32
      %dma_wait3A_468 = arith.constant 0 : i32
      %dma_wait3A_469 = tpu.memref_slice %arg2[%select_n3A, %dma_wait3A_467, %dma_wait3A_468] : memref<16x512x768xf32, #tpu.memory_space<hbm>> -> memref<1x512x768xf32, #tpu.memory_space<hbm>>
      %dma_wait3A_470 = tpu.memref_squeeze %dma_wait3A_469 : memref<1x512x768xf32, #tpu.memory_space<hbm>> -> memref<512x768xf32, #tpu.memory_space<hbm>>
      %dma_wait3A_471 = arith.constant 0 : i32
      %dma_wait3A_472 = arith.constant 0 : i32
      %dma_wait3A_473 = tpu.memref_slice %dma_wait3A_470[%dma_wait3A_471, %dma_wait3A_472] : memref<512x768xf32, #tpu.memory_space<hbm>> -> memref<512x768xf32, #tpu.memory_space<hbm>>
      %dma_wait3A_474 = tpu.memref_slice %arg8[%dma_wait3A_461] : memref<4x!tpu.dma_semaphore, #tpu.memory_space<semaphore_mem>> -> memref<1x!tpu.dma_semaphore, #tpu.memory_space<semaphore_mem>>
      %dma_wait3A_475 = tpu.memref_squeeze %dma_wait3A_474 : memref<1x!tpu.dma_semaphore, #tpu.memory_space<semaphore_mem>> -> memref<!tpu.dma_semaphore, #tpu.memory_space<semaphore_mem>>
      tpu.wait_indirect_dma semaphore(%dma_wait3A_475 : memref<!tpu.dma_semaphore, #tpu.memory_space<semaphore_mem>>) src(%dma_wait3A_473 : memref<512x768xf32, #tpu.memory_space<hbm>>) dst(%dma_wait3A_464 : memref<64x768xf32, #tpu.memory_space<vmem>>)
      %dma_start3A_476 = arith.constant 3 : i32
      %dma_start3A_477 = arith.constant 0 : i32
      %dma_start3A_478 = arith.constant 0 : i32
      %dma_start3A_479 = tpu.memref_slice %arg6[%dma_start3A_477, %dma_start3A_478] : memref<80x768xf32, #tpu.memory_space<vmem>> -> memref<64x768xf32, #tpu.memory_space<vmem>>
      %dma_start3A_480 = arith.constant 192 : i32
      %dma_start3A_481 = arith.constant 0 : i32
      %dma_start3A_482 = tpu.memref_slice %arg4[%select_n3A, %dma_start3A_480, %dma_start3A_481] : memref<16x513x768xf32, #tpu.memory_space<hbm>> -> memref<1x64x768xf32, #tpu.memory_space<hbm>>
      %dma_start3A_483 = tpu.memref_squeeze %dma_start3A_482 : memref<1x64x768xf32, #tpu.memory_space<hbm>> -> memref<64x768xf32, #tpu.memory_space<hbm>>
      %dma_start3A_484 = tpu.memref_slice %arg9[%dma_start3A_476] : memref<5x!tpu.dma_semaphore, #tpu.memory_space<semaphore_mem>> -> memref<1x!tpu.dma_semaphore, #tpu.memory_space<semaphore_mem>>
      %dma_start3A_485 = tpu.memref_squeeze %dma_start3A_484 : memref<1x!tpu.dma_semaphore, #tpu.memory_space<semaphore_mem>> -> memref<!tpu.dma_semaphore, #tpu.memory_space<semaphore_mem>>
      %dma_start3A_486 = arith.constant 192 : i32
      %dma_start3A_487 = arith.constant 0 : i32
      %dma_start3A_488 = tpu.memref_slice %arg4[%select_n3A, %dma_start3A_486, %dma_start3A_487] : memref<16x513x768xf32, #tpu.memory_space<hbm>> -> memref<1x64x768xf32, #tpu.memory_space<hbm>>
      %dma_start3A_489 = tpu.memref_squeeze %dma_start3A_488 : memref<1x64x768xf32, #tpu.memory_space<hbm>> -> memref<64x768xf32, #tpu.memory_space<hbm>>
      %dma_start3A_490 = arith.constant 0 : i32
      %dma_start3A_491 = arith.constant 0 : i32
      %dma_start3A_492 = tpu.memref_slice %arg6[%dma_start3A_490, %dma_start3A_491] : memref<80x768xf32, #tpu.memory_space<vmem>> -> memref<64x768xf32, #tpu.memory_space<vmem>>
      tpu.enqueue_dma source(%dma_start3A_492 : memref<64x768xf32, #tpu.memory_space<vmem>>) target(%dma_start3A_489 : memref<64x768xf32, #tpu.memory_space<hbm>>) target_semaphore(%dma_start3A_485 : memref<!tpu.dma_semaphore, #tpu.memory_space<semaphore_mem>>)
      %dma_wait3A_493 = arith.constant 2 : i32
      %dma_wait3A_494 = arith.constant 0 : i32
      %dma_wait3A_495 = arith.constant 0 : i32
      %dma_wait3A_496 = tpu.memref_slice %arg5[%dma_wait3A_494, %dma_wait3A_495] : memref<80x768xf32, #tpu.memory_space<vmem>> -> memref<64x768xf32, #tpu.memory_space<vmem>>
      %dma_wait3A_497 = arith.constant 128 : i32
      %dma_wait3A_498 = arith.constant 0 : i32
      %dma_wait3A_499 = tpu.memref_slice %arg4[%select_n3A, %dma_wait3A_497, %dma_wait3A_498] : memref<16x513x768xf32, #tpu.memory_space<hbm>> -> memref<1x64x768xf32, #tpu.memory_space<hbm>>
      %dma_wait3A_500 = tpu.memref_squeeze %dma_wait3A_499 : memref<1x64x768xf32, #tpu.memory_space<hbm>> -> memref<64x768xf32, #tpu.memory_space<hbm>>
      %dma_wait3A_501 = tpu.memref_slice %arg9[%dma_wait3A_493] : memref<5x!tpu.dma_semaphore, #tpu.memory_space<semaphore_mem>> -> memref<1x!tpu.dma_semaphore, #tpu.memory_space<semaphore_mem>>
      %dma_wait3A_502 = tpu.memref_squeeze %dma_wait3A_501 : memref<1x!tpu.dma_semaphore, #tpu.memory_space<semaphore_mem>> -> memref<!tpu.dma_semaphore, #tpu.memory_space<semaphore_mem>>
      %dma_wait3A_503 = arith.constant 128 : i32
      %dma_wait3A_504 = arith.constant 0 : i32
      %dma_wait3A_505 = tpu.memref_slice %arg4[%select_n3A, %dma_wait3A_503, %dma_wait3A_504] : memref<16x513x768xf32, #tpu.memory_space<hbm>> -> memref<1x64x768xf32, #tpu.memory_space<hbm>>
      %dma_wait3A_506 = tpu.memref_squeeze %dma_wait3A_505 : memref<1x64x768xf32, #tpu.memory_space<hbm>> -> memref<64x768xf32, #tpu.memory_space<hbm>>
      %dma_wait3A_507 = arith.constant 0 : i32
      %dma_wait3A_508 = arith.constant 0 : i32
      %dma_wait3A_509 = tpu.memref_slice %arg5[%dma_wait3A_507, %dma_wait3A_508] : memref<80x768xf32, #tpu.memory_space<vmem>> -> memref<64x768xf32, #tpu.memory_space<vmem>>
      tpu.wait_dma2 semaphore(%dma_wait3A_502 : memref<!tpu.dma_semaphore, #tpu.memory_space<semaphore_mem>>) src(%dma_wait3A_509 : memref<64x768xf32, #tpu.memory_space<vmem>>) dst(%dma_wait3A_506 : memref<64x768xf32, #tpu.memory_space<hbm>>)
      %dma_wait3A_510 = arith.constant 3 : i32
      %dma_wait3A_511 = arith.constant 0 : i32
      %dma_wait3A_512 = arith.constant 0 : i32
      %dma_wait3A_513 = tpu.memref_slice %arg6[%dma_wait3A_511, %dma_wait3A_512] : memref<80x768xf32, #tpu.memory_space<vmem>> -> memref<64x768xf32, #tpu.memory_space<vmem>>
      %dma_wait3A_514 = arith.constant 192 : i32
      %dma_wait3A_515 = arith.constant 0 : i32
      %dma_wait3A_516 = tpu.memref_slice %arg4[%select_n3A, %dma_wait3A_514, %dma_wait3A_515] : memref<16x513x768xf32, #tpu.memory_space<hbm>> -> memref<1x64x768xf32, #tpu.memory_space<hbm>>
      %dma_wait3A_517 = tpu.memref_squeeze %dma_wait3A_516 : memref<1x64x768xf32, #tpu.memory_space<hbm>> -> memref<64x768xf32, #tpu.memory_space<hbm>>
      %dma_wait3A_518 = tpu.memref_slice %arg9[%dma_wait3A_510] : memref<5x!tpu.dma_semaphore, #tpu.memory_space<semaphore_mem>> -> memref<1x!tpu.dma_semaphore, #tpu.memory_space<semaphore_mem>>
      %dma_wait3A_519 = tpu.memref_squeeze %dma_wait3A_518 : memref<1x!tpu.dma_semaphore, #tpu.memory_space<semaphore_mem>> -> memref<!tpu.dma_semaphore, #tpu.memory_space<semaphore_mem>>
      %dma_wait3A_520 = arith.constant 192 : i32
      %dma_wait3A_521 = arith.constant 0 : i32
      %dma_wait3A_522 = tpu.memref_slice %arg4[%select_n3A, %dma_wait3A_520, %dma_wait3A_521] : memref<16x513x768xf32, #tpu.memory_space<hbm>> -> memref<1x64x768xf32, #tpu.memory_space<hbm>>
      %dma_wait3A_523 = tpu.memref_squeeze %dma_wait3A_522 : memref<1x64x768xf32, #tpu.memory_space<hbm>> -> memref<64x768xf32, #tpu.memory_space<hbm>>
      %dma_wait3A_524 = arith.constant 0 : i32
      %dma_wait3A_525 = arith.constant 0 : i32
      %dma_wait3A_526 = tpu.memref_slice %arg6[%dma_wait3A_524, %dma_wait3A_525] : memref<80x768xf32, #tpu.memory_space<vmem>> -> memref<64x768xf32, #tpu.memory_space<vmem>>
      tpu.wait_dma2 semaphore(%dma_wait3A_519 : memref<!tpu.dma_semaphore, #tpu.memory_space<semaphore_mem>>) src(%dma_wait3A_526 : memref<64x768xf32, #tpu.memory_space<vmem>>) dst(%dma_wait3A_523 : memref<64x768xf32, #tpu.memory_space<hbm>>)
    } else {
    }
    %eq3A_34 = arith.constant 1 : i32
    %eq3A_35 = arith.cmpi eq, %select_n3A_30, %eq3A_34 : i32
    %convert_element_type3A_36 = arith.extui %eq3A_35 : i1 to i32
    %cond3A_37 = arith.constant 0 : i32
    %cond3A_38 = arith.cmpi ne, %convert_element_type3A_36, %cond3A_37 : i32
    scf.if %cond3A_38 {
      %iota3A = tpu.iota {dimensions = array<i32: 0>} : vector<16xi32>
      %add3A_39 = arith.constant 255 : i32
      %add3A_40 = vector.broadcast %add3A_39 : i32 to vector<16xi32>
      %add3A_41 = arith.addi %iota3A, %add3A_40 : vector<16xi32>
      %min3A = arith.constant 511 : i32
      %min3A_42 = vector.broadcast %min3A : i32 to vector<16xi32>
      %min3A_43 = arith.minsi %add3A_41, %min3A_42 : vector<16xi32>
      %swap3A = arith.constant 0 : index
      %swap3A_44 = tpu.vector_load %arg7[%swap3A] {strides = array<i32>} : memref<272xi32, #tpu.memory_space<vmem>>, vector<16xi32>,
      %swap3A_45 = vector.shape_cast %swap3A_44 : vector<16xi32> to vector<16xi32>
      %swap3A_46 = vector.shape_cast %min3A_43 : vector<16xi32> to vector<16xi32>
      tpu.vector_store %arg7[%swap3A], %swap3A_46 {strides = array<i32>} : memref<272xi32, #tpu.memory_space<vmem>>, vector<16xi32>,
      %iota3A_47 = tpu.iota {dimensions = array<i32: 0>} : vector<16xi32>
      %add3A_48 = arith.constant 271 : i32
      %add3A_49 = vector.broadcast %add3A_48 : i32 to vector<16xi32>
      %add3A_50 = arith.addi %iota3A_47, %add3A_49 : vector<16xi32>
      %min3A_51 = arith.constant 511 : i32
      %min3A_52 = vector.broadcast %min3A_51 : i32 to vector<16xi32>
      %min3A_53 = arith.minsi %add3A_50, %min3A_52 : vector<16xi32>
      %swap3A_54 = arith.constant 16 : index
      %swap3A_55 = tpu.vector_load %arg7[%swap3A_54] {strides = array<i32>} : memref<272xi32, #tpu.memory_space<vmem>>, vector<16xi32>,
      %swap3A_56 = vector.shape_cast %swap3A_55 : vector<16xi32> to vector<16xi32>
      %swap3A_57 = vector.shape_cast %min3A_53 : vector<16xi32> to vector<16xi32>
      tpu.vector_store %arg7[%swap3A_54], %swap3A_57 {strides = array<i32>} : memref<272xi32, #tpu.memory_space<vmem>>, vector<16xi32>,
      %iota3A_58 = tpu.iota {dimensions = array<i32: 0>} : vector<16xi32>
      %add3A_59 = arith.constant 287 : i32
      %add3A_60 = vector.broadcast %add3A_59 : i32 to vector<16xi32>
      %add3A_61 = arith.addi %iota3A_58, %add3A_60 : vector<16xi32>
      %min3A_62 = arith.constant 511 : i32
      %min3A_63 = vector.broadcast %min3A_62 : i32 to vector<16xi32>
      %min3A_64 = arith.minsi %add3A_61, %min3A_63 : vector<16xi32>
      %swap3A_65 = arith.constant 32 : index
      %swap3A_66 = tpu.vector_load %arg7[%swap3A_65] {strides = array<i32>} : memref<272xi32, #tpu.memory_space<vmem>>, vector<16xi32>,
      %swap3A_67 = vector.shape_cast %swap3A_66 : vector<16xi32> to vector<16xi32>
      %swap3A_68 = vector.shape_cast %min3A_64 : vector<16xi32> to vector<16xi32>
      tpu.vector_store %arg7[%swap3A_65], %swap3A_68 {strides = array<i32>} : memref<272xi32, #tpu.memory_space<vmem>>, vector<16xi32>,
      %iota3A_69 = tpu.iota {dimensions = array<i32: 0>} : vector<16xi32>
      %add3A_70 = arith.constant 303 : i32
      %add3A_71 = vector.broadcast %add3A_70 : i32 to vector<16xi32>
      %add3A_72 = arith.addi %iota3A_69, %add3A_71 : vector<16xi32>
      %min3A_73 = arith.constant 511 : i32
      %min3A_74 = vector.broadcast %min3A_73 : i32 to vector<16xi32>
      %min3A_75 = arith.minsi %add3A_72, %min3A_74 : vector<16xi32>
      %swap3A_76 = arith.constant 48 : index
      %swap3A_77 = tpu.vector_load %arg7[%swap3A_76] {strides = array<i32>} : memref<272xi32, #tpu.memory_space<vmem>>, vector<16xi32>,
      %swap3A_78 = vector.shape_cast %swap3A_77 : vector<16xi32> to vector<16xi32>
      %swap3A_79 = vector.shape_cast %min3A_75 : vector<16xi32> to vector<16xi32>
      tpu.vector_store %arg7[%swap3A_76], %swap3A_79 {strides = array<i32>} : memref<272xi32, #tpu.memory_space<vmem>>, vector<16xi32>,
      %iota3A_80 = tpu.iota {dimensions = array<i32: 0>} : vector<16xi32>
      %add3A_81 = arith.constant 319 : i32
      %add3A_82 = vector.broadcast %add3A_81 : i32 to vector<16xi32>
      %add3A_83 = arith.addi %iota3A_80, %add3A_82 : vector<16xi32>
      %min3A_84 = arith.constant 511 : i32
      %min3A_85 = vector.broadcast %min3A_84 : i32 to vector<16xi32>
      %min3A_86 = arith.minsi %add3A_83, %min3A_85 : vector<16xi32>
      %swap3A_87 = arith.constant 64 : index
      %swap3A_88 = tpu.vector_load %arg7[%swap3A_87] {strides = array<i32>} : memref<272xi32, #tpu.memory_space<vmem>>, vector<16xi32>,
      %swap3A_89 = vector.shape_cast %swap3A_88 : vector<16xi32> to vector<16xi32>
      %swap3A_90 = vector.shape_cast %min3A_86 : vector<16xi32> to vector<16xi32>
      tpu.vector_store %arg7[%swap3A_87], %swap3A_90 {strides = array<i32>} : memref<272xi32, #tpu.memory_space<vmem>>, vector<16xi32>,
      %iota3A_91 = tpu.iota {dimensions = array<i32: 0>} : vector<16xi32>
      %add3A_92 = arith.constant 335 : i32
      %add3A_93 = vector.broadcast %add3A_92 : i32 to vector<16xi32>
      %add3A_94 = arith.addi %iota3A_91, %add3A_93 : vector<16xi32>
      %min3A_95 = arith.constant 511 : i32
      %min3A_96 = vector.broadcast %min3A_95 : i32 to vector<16xi32>
      %min3A_97 = arith.minsi %add3A_94, %min3A_96 : vector<16xi32>
      %swap3A_98 = arith.constant 80 : index
      %swap3A_99 = tpu.vector_load %arg7[%swap3A_98] {strides = array<i32>} : memref<272xi32, #tpu.memory_space<vmem>>, vector<16xi32>,
      %swap3A_100 = vector.shape_cast %swap3A_99 : vector<16xi32> to vector<16xi32>
      %swap3A_101 = vector.shape_cast %min3A_97 : vector<16xi32> to vector<16xi32>
      tpu.vector_store %arg7[%swap3A_98], %swap3A_101 {strides = array<i32>} : memref<272xi32, #tpu.memory_space<vmem>>, vector<16xi32>,
      %iota3A_102 = tpu.iota {dimensions = array<i32: 0>} : vector<16xi32>
      %add3A_103 = arith.constant 351 : i32
      %add3A_104 = vector.broadcast %add3A_103 : i32 to vector<16xi32>
      %add3A_105 = arith.addi %iota3A_102, %add3A_104 : vector<16xi32>
      %min3A_106 = arith.constant 511 : i32
      %min3A_107 = vector.broadcast %min3A_106 : i32 to vector<16xi32>
      %min3A_108 = arith.minsi %add3A_105, %min3A_107 : vector<16xi32>
      %swap3A_109 = arith.constant 96 : index
      %swap3A_110 = tpu.vector_load %arg7[%swap3A_109] {strides = array<i32>} : memref<272xi32, #tpu.memory_space<vmem>>, vector<16xi32>,
      %swap3A_111 = vector.shape_cast %swap3A_110 : vector<16xi32> to vector<16xi32>
      %swap3A_112 = vector.shape_cast %min3A_108 : vector<16xi32> to vector<16xi32>
      tpu.vector_store %arg7[%swap3A_109], %swap3A_112 {strides = array<i32>} : memref<272xi32, #tpu.memory_space<vmem>>, vector<16xi32>,
      %iota3A_113 = tpu.iota {dimensions = array<i32: 0>} : vector<16xi32>
      %add3A_114 = arith.constant 367 : i32
      %add3A_115 = vector.broadcast %add3A_114 : i32 to vector<16xi32>
      %add3A_116 = arith.addi %iota3A_113, %add3A_115 : vector<16xi32>
      %min3A_117 = arith.constant 511 : i32
      %min3A_118 = vector.broadcast %min3A_117 : i32 to vector<16xi32>
      %min3A_119 = arith.minsi %add3A_116, %min3A_118 : vector<16xi32>
      %swap3A_120 = arith.constant 112 : index
      %swap3A_121 = tpu.vector_load %arg7[%swap3A_120] {strides = array<i32>} : memref<272xi32, #tpu.memory_space<vmem>>, vector<16xi32>,
      %swap3A_122 = vector.shape_cast %swap3A_121 : vector<16xi32> to vector<16xi32>
      %swap3A_123 = vector.shape_cast %min3A_119 : vector<16xi32> to vector<16xi32>
      tpu.vector_store %arg7[%swap3A_120], %swap3A_123 {strides = array<i32>} : memref<272xi32, #tpu.memory_space<vmem>>, vector<16xi32>,
      %iota3A_124 = tpu.iota {dimensions = array<i32: 0>} : vector<16xi32>
      %add3A_125 = arith.constant 383 : i32
      %add3A_126 = vector.broadcast %add3A_125 : i32 to vector<16xi32>
      %add3A_127 = arith.addi %iota3A_124, %add3A_126 : vector<16xi32>
      %min3A_128 = arith.constant 511 : i32
      %min3A_129 = vector.broadcast %min3A_128 : i32 to vector<16xi32>
      %min3A_130 = arith.minsi %add3A_127, %min3A_129 : vector<16xi32>
      %swap3A_131 = arith.constant 128 : index
      %swap3A_132 = tpu.vector_load %arg7[%swap3A_131] {strides = array<i32>} : memref<272xi32, #tpu.memory_space<vmem>>, vector<16xi32>,
      %swap3A_133 = vector.shape_cast %swap3A_132 : vector<16xi32> to vector<16xi32>
      %swap3A_134 = vector.shape_cast %min3A_130 : vector<16xi32> to vector<16xi32>
      tpu.vector_store %arg7[%swap3A_131], %swap3A_134 {strides = array<i32>} : memref<272xi32, #tpu.memory_space<vmem>>, vector<16xi32>,
      %iota3A_135 = tpu.iota {dimensions = array<i32: 0>} : vector<16xi32>
      %add3A_136 = arith.constant 399 : i32
      %add3A_137 = vector.broadcast %add3A_136 : i32 to vector<16xi32>
      %add3A_138 = arith.addi %iota3A_135, %add3A_137 : vector<16xi32>
      %min3A_139 = arith.constant 511 : i32
      %min3A_140 = vector.broadcast %min3A_139 : i32 to vector<16xi32>
      %min3A_141 = arith.minsi %add3A_138, %min3A_140 : vector<16xi32>
      %swap3A_142 = arith.constant 144 : index
      %swap3A_143 = tpu.vector_load %arg7[%swap3A_142] {strides = array<i32>} : memref<272xi32, #tpu.memory_space<vmem>>, vector<16xi32>,
      %swap3A_144 = vector.shape_cast %swap3A_143 : vector<16xi32> to vector<16xi32>
      %swap3A_145 = vector.shape_cast %min3A_141 : vector<16xi32> to vector<16xi32>
      tpu.vector_store %arg7[%swap3A_142], %swap3A_145 {strides = array<i32>} : memref<272xi32, #tpu.memory_space<vmem>>, vector<16xi32>,
      %iota3A_146 = tpu.iota {dimensions = array<i32: 0>} : vector<16xi32>
      %add3A_147 = arith.constant 415 : i32
      %add3A_148 = vector.broadcast %add3A_147 : i32 to vector<16xi32>
      %add3A_149 = arith.addi %iota3A_146, %add3A_148 : vector<16xi32>
      %min3A_150 = arith.constant 511 : i32
      %min3A_151 = vector.broadcast %min3A_150 : i32 to vector<16xi32>
      %min3A_152 = arith.minsi %add3A_149, %min3A_151 : vector<16xi32>
      %swap3A_153 = arith.constant 160 : index
      %swap3A_154 = tpu.vector_load %arg7[%swap3A_153] {strides = array<i32>} : memref<272xi32, #tpu.memory_space<vmem>>, vector<16xi32>,
      %swap3A_155 = vector.shape_cast %swap3A_154 : vector<16xi32> to vector<16xi32>
      %swap3A_156 = vector.shape_cast %min3A_152 : vector<16xi32> to vector<16xi32>
      tpu.vector_store %arg7[%swap3A_153], %swap3A_156 {strides = array<i32>} : memref<272xi32, #tpu.memory_space<vmem>>, vector<16xi32>,
      %iota3A_157 = tpu.iota {dimensions = array<i32: 0>} : vector<16xi32>
      %add3A_158 = arith.constant 431 : i32
      %add3A_159 = vector.broadcast %add3A_158 : i32 to vector<16xi32>
      %add3A_160 = arith.addi %iota3A_157, %add3A_159 : vector<16xi32>
      %min3A_161 = arith.constant 511 : i32
      %min3A_162 = vector.broadcast %min3A_161 : i32 to vector<16xi32>
      %min3A_163 = arith.minsi %add3A_160, %min3A_162 : vector<16xi32>
      %swap3A_164 = arith.constant 176 : index
      %swap3A_165 = tpu.vector_load %arg7[%swap3A_164] {strides = array<i32>} : memref<272xi32, #tpu.memory_space<vmem>>, vector<16xi32>,
      %swap3A_166 = vector.shape_cast %swap3A_165 : vector<16xi32> to vector<16xi32>
      %swap3A_167 = vector.shape_cast %min3A_163 : vector<16xi32> to vector<16xi32>
      tpu.vector_store %arg7[%swap3A_164], %swap3A_167 {strides = array<i32>} : memref<272xi32, #tpu.memory_space<vmem>>, vector<16xi32>,
      %iota3A_168 = tpu.iota {dimensions = array<i32: 0>} : vector<16xi32>
      %add3A_169 = arith.constant 447 : i32
      %add3A_170 = vector.broadcast %add3A_169 : i32 to vector<16xi32>
      %add3A_171 = arith.addi %iota3A_168, %add3A_170 : vector<16xi32>
      %min3A_172 = arith.constant 511 : i32
      %min3A_173 = vector.broadcast %min3A_172 : i32 to vector<16xi32>
      %min3A_174 = arith.minsi %add3A_171, %min3A_173 : vector<16xi32>
      %swap3A_175 = arith.constant 192 : index
      %swap3A_176 = tpu.vector_load %arg7[%swap3A_175] {strides = array<i32>} : memref<272xi32, #tpu.memory_space<vmem>>, vector<16xi32>,
      %swap3A_177 = vector.shape_cast %swap3A_176 : vector<16xi32> to vector<16xi32>
      %swap3A_178 = vector.shape_cast %min3A_174 : vector<16xi32> to vector<16xi32>
      tpu.vector_store %arg7[%swap3A_175], %swap3A_178 {strides = array<i32>} : memref<272xi32, #tpu.memory_space<vmem>>, vector<16xi32>,
      %iota3A_179 = tpu.iota {dimensions = array<i32: 0>} : vector<16xi32>
      %add3A_180 = arith.constant 463 : i32
      %add3A_181 = vector.broadcast %add3A_180 : i32 to vector<16xi32>
      %add3A_182 = arith.addi %iota3A_179, %add3A_181 : vector<16xi32>
      %min3A_183 = arith.constant 511 : i32
      %min3A_184 = vector.broadcast %min3A_183 : i32 to vector<16xi32>
      %min3A_185 = arith.minsi %add3A_182, %min3A_184 : vector<16xi32>
      %swap3A_186 = arith.constant 208 : index
      %swap3A_187 = tpu.vector_load %arg7[%swap3A_186] {strides = array<i32>} : memref<272xi32, #tpu.memory_space<vmem>>, vector<16xi32>,
      %swap3A_188 = vector.shape_cast %swap3A_187 : vector<16xi32> to vector<16xi32>
      %swap3A_189 = vector.shape_cast %min3A_185 : vector<16xi32> to vector<16xi32>
      tpu.vector_store %arg7[%swap3A_186], %swap3A_189 {strides = array<i32>} : memref<272xi32, #tpu.memory_space<vmem>>, vector<16xi32>,
      %iota3A_190 = tpu.iota {dimensions = array<i32: 0>} : vector<16xi32>
      %add3A_191 = arith.constant 479 : i32
      %add3A_192 = vector.broadcast %add3A_191 : i32 to vector<16xi32>
      %add3A_193 = arith.addi %iota3A_190, %add3A_192 : vector<16xi32>
      %min3A_194 = arith.constant 511 : i32
      %min3A_195 = vector.broadcast %min3A_194 : i32 to vector<16xi32>
      %min3A_196 = arith.minsi %add3A_193, %min3A_195 : vector<16xi32>
      %swap3A_197 = arith.constant 224 : index
      %swap3A_198 = tpu.vector_load %arg7[%swap3A_197] {strides = array<i32>} : memref<272xi32, #tpu.memory_space<vmem>>, vector<16xi32>,
      %swap3A_199 = vector.shape_cast %swap3A_198 : vector<16xi32> to vector<16xi32>
      %swap3A_200 = vector.shape_cast %min3A_196 : vector<16xi32> to vector<16xi32>
      tpu.vector_store %arg7[%swap3A_197], %swap3A_200 {strides = array<i32>} : memref<272xi32, #tpu.memory_space<vmem>>, vector<16xi32>,
      %iota3A_201 = tpu.iota {dimensions = array<i32: 0>} : vector<16xi32>
      %add3A_202 = arith.constant 495 : i32
      %add3A_203 = vector.broadcast %add3A_202 : i32 to vector<16xi32>
      %add3A_204 = arith.addi %iota3A_201, %add3A_203 : vector<16xi32>
      %min3A_205 = arith.constant 511 : i32
      %min3A_206 = vector.broadcast %min3A_205 : i32 to vector<16xi32>
      %min3A_207 = arith.minsi %add3A_204, %min3A_206 : vector<16xi32>
      %swap3A_208 = arith.constant 240 : index
      %swap3A_209 = tpu.vector_load %arg7[%swap3A_208] {strides = array<i32>} : memref<272xi32, #tpu.memory_space<vmem>>, vector<16xi32>,
      %swap3A_210 = vector.shape_cast %swap3A_209 : vector<16xi32> to vector<16xi32>
      %swap3A_211 = vector.shape_cast %min3A_207 : vector<16xi32> to vector<16xi32>
      tpu.vector_store %arg7[%swap3A_208], %swap3A_211 {strides = array<i32>} : memref<272xi32, #tpu.memory_space<vmem>>, vector<16xi32>,
      %iota3A_212 = tpu.iota {dimensions = array<i32: 0>} : vector<16xi32>
      %add3A_213 = arith.constant 511 : i32
      %add3A_214 = vector.broadcast %add3A_213 : i32 to vector<16xi32>
      %add3A_215 = arith.addi %iota3A_212, %add3A_214 : vector<16xi32>
      %min3A_216 = arith.constant 511 : i32
      %min3A_217 = vector.broadcast %min3A_216 : i32 to vector<16xi32>
      %min3A_218 = arith.minsi %add3A_215, %min3A_217 : vector<16xi32>
      %swap3A_219 = arith.constant 256 : index
      %swap3A_220 = tpu.vector_load %arg7[%swap3A_219] {strides = array<i32>} : memref<272xi32, #tpu.memory_space<vmem>>, vector<16xi32>,
      %swap3A_221 = vector.shape_cast %swap3A_220 : vector<16xi32> to vector<16xi32>
      %swap3A_222 = vector.shape_cast %min3A_218 : vector<16xi32> to vector<16xi32>
      tpu.vector_store %arg7[%swap3A_219], %swap3A_222 {strides = array<i32>} : memref<272xi32, #tpu.memory_space<vmem>>, vector<16xi32>,
      %broadcast_in_dim3A = arith.constant 512 : i32
      %broadcast_in_dim3A_223 = vector.broadcast %broadcast_in_dim3A : i32 to vector<16xi32>
      %dma_start3A = arith.constant 0 : i32
      %dma_start3A_224 = arith.constant 0 : i32
      %dma_start3A_225 = arith.constant 0 : i32
      %dma_start3A_226 = tpu.memref_slice %arg5[%dma_start3A_224, %dma_start3A_225] : memref<80x768xf32, #tpu.memory_space<vmem>> -> memref<64x768xf32, #tpu.memory_space<vmem>>
      %dma_start3A_227 = arith.constant 0 : i32
      %dma_start3A_228 = tpu.memref_slice %arg7[%dma_start3A_227] : memref<272xi32, #tpu.memory_space<vmem>> -> memref<64xi32, #tpu.memory_space<vmem>>
      %dma_start3A_229 = arith.constant 0 : i32
      %dma_start3A_230 = arith.constant 0 : i32
      %dma_start3A_231 = tpu.memref_slice %arg2[%select_n3A, %dma_start3A_229, %dma_start3A_230] : memref<16x512x768xf32, #tpu.memory_space<hbm>> -> memref<1x512x768xf32, #tpu.memory_space<hbm>>
      %dma_start3A_232 = tpu.memref_squeeze %dma_start3A_231 : memref<1x512x768xf32, #tpu.memory_space<hbm>> -> memref<512x768xf32, #tpu.memory_space<hbm>>
      %dma_start3A_233 = arith.constant 0 : i32
      %dma_start3A_234 = arith.constant 0 : i32
      %dma_start3A_235 = tpu.memref_slice %dma_start3A_232[%dma_start3A_233, %dma_start3A_234] : memref<512x768xf32, #tpu.memory_space<hbm>> -> memref<512x768xf32, #tpu.memory_space<hbm>>
      %dma_start3A_236 = tpu.memref_slice %arg8[%dma_start3A] : memref<4x!tpu.dma_semaphore, #tpu.memory_space<semaphore_mem>> -> memref<1x!tpu.dma_semaphore, #tpu.memory_space<semaphore_mem>>
      %dma_start3A_237 = tpu.memref_squeeze %dma_start3A_236 : memref<1x!tpu.dma_semaphore, #tpu.memory_space<semaphore_mem>> -> memref<!tpu.dma_semaphore, #tpu.memory_space<semaphore_mem>>
      tpu.enqueue_indirect_dma source(%dma_start3A_235 : memref<512x768xf32, #tpu.memory_space<hbm>>) target(%dma_start3A_226 : memref<64x768xf32, #tpu.memory_space<vmem>>) offsets(%dma_start3A_228 : memref<64xi32, #tpu.memory_space<vmem>>) semaphore(%dma_start3A_237 : memref<!tpu.dma_semaphore, #tpu.memory_space<semaphore_mem>>)
      %dma_start3A_238 = arith.constant 1 : i32
      %dma_start3A_239 = arith.constant 0 : i32
      %dma_start3A_240 = arith.constant 0 : i32
      %dma_start3A_241 = tpu.memref_slice %arg6[%dma_start3A_239, %dma_start3A_240] : memref<80x768xf32, #tpu.memory_space<vmem>> -> memref<64x768xf32, #tpu.memory_space<vmem>>
      %dma_start3A_242 = arith.constant 64 : i32
      %dma_start3A_243 = tpu.memref_slice %arg7[%dma_start3A_242] : memref<272xi32, #tpu.memory_space<vmem>> -> memref<64xi32, #tpu.memory_space<vmem>>
      %dma_start3A_244 = arith.constant 0 : i32
      %dma_start3A_245 = arith.constant 0 : i32
      %dma_start3A_246 = tpu.memref_slice %arg2[%select_n3A, %dma_start3A_244, %dma_start3A_245] : memref<16x512x768xf32, #tpu.memory_space<hbm>> -> memref<1x512x768xf32, #tpu.memory_space<hbm>>
      %dma_start3A_247 = tpu.memref_squeeze %dma_start3A_246 : memref<1x512x768xf32, #tpu.memory_space<hbm>> -> memref<512x768xf32, #tpu.memory_space<hbm>>
      %dma_start3A_248 = arith.constant 0 : i32
      %dma_start3A_249 = arith.constant 0 : i32
      %dma_start3A_250 = tpu.memref_slice %dma_start3A_247[%dma_start3A_248, %dma_start3A_249] : memref<512x768xf32, #tpu.memory_space<hbm>> -> memref<512x768xf32, #tpu.memory_space<hbm>>
      %dma_start3A_251 = tpu.memref_slice %arg8[%dma_start3A_238] : memref<4x!tpu.dma_semaphore, #tpu.memory_space<semaphore_mem>> -> memref<1x!tpu.dma_semaphore, #tpu.memory_space<semaphore_mem>>
      %dma_start3A_252 = tpu.memref_squeeze %dma_start3A_251 : memref<1x!tpu.dma_semaphore, #tpu.memory_space<semaphore_mem>> -> memref<!tpu.dma_semaphore, #tpu.memory_space<semaphore_mem>>
      tpu.enqueue_indirect_dma source(%dma_start3A_250 : memref<512x768xf32, #tpu.memory_space<hbm>>) target(%dma_start3A_241 : memref<64x768xf32, #tpu.memory_space<vmem>>) offsets(%dma_start3A_243 : memref<64xi32, #tpu.memory_space<vmem>>) semaphore(%dma_start3A_252 : memref<!tpu.dma_semaphore, #tpu.memory_space<semaphore_mem>>)
      %dma_wait3A = arith.constant 0 : i32
      %dma_wait3A_253 = arith.constant 0 : i32
      %dma_wait3A_254 = arith.constant 0 : i32
      %dma_wait3A_255 = tpu.memref_slice %arg5[%dma_wait3A_253, %dma_wait3A_254] : memref<80x768xf32, #tpu.memory_space<vmem>> -> memref<64x768xf32, #tpu.memory_space<vmem>>
      %dma_wait3A_256 = arith.constant 0 : i32
      %dma_wait3A_257 = tpu.memref_slice %arg7[%dma_wait3A_256] : memref<272xi32, #tpu.memory_space<vmem>> -> memref<64xi32, #tpu.memory_space<vmem>>
      %dma_wait3A_258 = arith.constant 0 : i32
      %dma_wait3A_259 = arith.constant 0 : i32
      %dma_wait3A_260 = tpu.memref_slice %arg2[%select_n3A, %dma_wait3A_258, %dma_wait3A_259] : memref<16x512x768xf32, #tpu.memory_space<hbm>> -> memref<1x512x768xf32, #tpu.memory_space<hbm>>
      %dma_wait3A_261 = tpu.memref_squeeze %dma_wait3A_260 : memref<1x512x768xf32, #tpu.memory_space<hbm>> -> memref<512x768xf32, #tpu.memory_space<hbm>>
      %dma_wait3A_262 = arith.constant 0 : i32
      %dma_wait3A_263 = arith.constant 0 : i32
      %dma_wait3A_264 = tpu.memref_slice %dma_wait3A_261[%dma_wait3A_262, %dma_wait3A_263] : memref<512x768xf32, #tpu.memory_space<hbm>> -> memref<512x768xf32, #tpu.memory_space<hbm>>
      %dma_wait3A_265 = tpu.memref_slice %arg8[%dma_wait3A] : memref<4x!tpu.dma_semaphore, #tpu.memory_space<semaphore_mem>> -> memref<1x!tpu.dma_semaphore, #tpu.memory_space<semaphore_mem>>
      %dma_wait3A_266 = tpu.memref_squeeze %dma_wait3A_265 : memref<1x!tpu.dma_semaphore, #tpu.memory_space<semaphore_mem>> -> memref<!tpu.dma_semaphore, #tpu.memory_space<semaphore_mem>>
      tpu.wait_indirect_dma semaphore(%dma_wait3A_266 : memref<!tpu.dma_semaphore, #tpu.memory_space<semaphore_mem>>) src(%dma_wait3A_264 : memref<512x768xf32, #tpu.memory_space<hbm>>) dst(%dma_wait3A_255 : memref<64x768xf32, #tpu.memory_space<vmem>>)
      %dma_start3A_267 = arith.constant 0 : i32
      %dma_start3A_268 = arith.constant 0 : i32
      %dma_start3A_269 = arith.constant 0 : i32
      %dma_start3A_270 = tpu.memref_slice %arg5[%dma_start3A_268, %dma_start3A_269] : memref<80x768xf32, #tpu.memory_space<vmem>> -> memref<64x768xf32, #tpu.memory_space<vmem>>
      %dma_start3A_271 = arith.constant 256 : i32
      %dma_start3A_272 = arith.constant 0 : i32
      %dma_start3A_273 = tpu.memref_slice %arg4[%select_n3A, %dma_start3A_271, %dma_start3A_272] : memref<16x513x768xf32, #tpu.memory_space<hbm>> -> memref<1x64x768xf32, #tpu.memory_space<hbm>>
      %dma_start3A_274 = tpu.memref_squeeze %dma_start3A_273 : memref<1x64x768xf32, #tpu.memory_space<hbm>> -> memref<64x768xf32, #tpu.memory_space<hbm>>
      %dma_start3A_275 = tpu.memref_slice %arg9[%dma_start3A_267] : memref<5x!tpu.dma_semaphore, #tpu.memory_space<semaphore_mem>> -> memref<1x!tpu.dma_semaphore, #tpu.memory_space<semaphore_mem>>
      %dma_start3A_276 = tpu.memref_squeeze %dma_start3A_275 : memref<1x!tpu.dma_semaphore, #tpu.memory_space<semaphore_mem>> -> memref<!tpu.dma_semaphore, #tpu.memory_space<semaphore_mem>>
      %dma_start3A_277 = arith.constant 256 : i32
      %dma_start3A_278 = arith.constant 0 : i32
      %dma_start3A_279 = tpu.memref_slice %arg4[%select_n3A, %dma_start3A_277, %dma_start3A_278] : memref<16x513x768xf32, #tpu.memory_space<hbm>> -> memref<1x64x768xf32, #tpu.memory_space<hbm>>
      %dma_start3A_280 = tpu.memref_squeeze %dma_start3A_279 : memref<1x64x768xf32, #tpu.memory_space<hbm>> -> memref<64x768xf32, #tpu.memory_space<hbm>>
      %dma_start3A_281 = arith.constant 0 : i32
      %dma_start3A_282 = arith.constant 0 : i32
      %dma_start3A_283 = tpu.memref_slice %arg5[%dma_start3A_281, %dma_start3A_282] : memref<80x768xf32, #tpu.memory_space<vmem>> -> memref<64x768xf32, #tpu.memory_space<vmem>>
      tpu.enqueue_dma source(%dma_start3A_283 : memref<64x768xf32, #tpu.memory_space<vmem>>) target(%dma_start3A_280 : memref<64x768xf32, #tpu.memory_space<hbm>>) target_semaphore(%dma_start3A_276 : memref<!tpu.dma_semaphore, #tpu.memory_space<semaphore_mem>>)
      %dma_wait3A_284 = arith.constant 1 : i32
      %dma_wait3A_285 = arith.constant 0 : i32
      %dma_wait3A_286 = arith.constant 0 : i32
      %dma_wait3A_287 = tpu.memref_slice %arg6[%dma_wait3A_285, %dma_wait3A_286] : memref<80x768xf32, #tpu.memory_space<vmem>> -> memref<64x768xf32, #tpu.memory_space<vmem>>
      %dma_wait3A_288 = arith.constant 64 : i32
      %dma_wait3A_289 = tpu.memref_slice %arg7[%dma_wait3A_288] : memref<272xi32, #tpu.memory_space<vmem>> -> memref<64xi32, #tpu.memory_space<vmem>>
      %dma_wait3A_290 = arith.constant 0 : i32
      %dma_wait3A_291 = arith.constant 0 : i32
      %dma_wait3A_292 = tpu.memref_slice %arg2[%select_n3A, %dma_wait3A_290, %dma_wait3A_291] : memref<16x512x768xf32, #tpu.memory_space<hbm>> -> memref<1x512x768xf32, #tpu.memory_space<hbm>>
      %dma_wait3A_293 = tpu.memref_squeeze %dma_wait3A_292 : memref<1x512x768xf32, #tpu.memory_space<hbm>> -> memref<512x768xf32, #tpu.memory_space<hbm>>
      %dma_wait3A_294 = arith.constant 0 : i32
      %dma_wait3A_295 = arith.constant 0 : i32
      %dma_wait3A_296 = tpu.memref_slice %dma_wait3A_293[%dma_wait3A_294, %dma_wait3A_295] : memref<512x768xf32, #tpu.memory_space<hbm>> -> memref<512x768xf32, #tpu.memory_space<hbm>>
      %dma_wait3A_297 = tpu.memref_slice %arg8[%dma_wait3A_284] : memref<4x!tpu.dma_semaphore, #tpu.memory_space<semaphore_mem>> -> memref<1x!tpu.dma_semaphore, #tpu.memory_space<semaphore_mem>>
      %dma_wait3A_298 = tpu.memref_squeeze %dma_wait3A_297 : memref<1x!tpu.dma_semaphore, #tpu.memory_space<semaphore_mem>> -> memref<!tpu.dma_semaphore, #tpu.memory_space<semaphore_mem>>
      tpu.wait_indirect_dma semaphore(%dma_wait3A_298 : memref<!tpu.dma_semaphore, #tpu.memory_space<semaphore_mem>>) src(%dma_wait3A_296 : memref<512x768xf32, #tpu.memory_space<hbm>>) dst(%dma_wait3A_287 : memref<64x768xf32, #tpu.memory_space<vmem>>)
      %dma_start3A_299 = arith.constant 1 : i32
      %dma_start3A_300 = arith.constant 0 : i32
      %dma_start3A_301 = arith.constant 0 : i32
      %dma_start3A_302 = tpu.memref_slice %arg6[%dma_start3A_300, %dma_start3A_301] : memref<80x768xf32, #tpu.memory_space<vmem>> -> memref<64x768xf32, #tpu.memory_space<vmem>>
      %dma_start3A_303 = arith.constant 320 : i32
      %dma_start3A_304 = arith.constant 0 : i32
      %dma_start3A_305 = tpu.memref_slice %arg4[%select_n3A, %dma_start3A_303, %dma_start3A_304] : memref<16x513x768xf32, #tpu.memory_space<hbm>> -> memref<1x64x768xf32, #tpu.memory_space<hbm>>
      %dma_start3A_306 = tpu.memref_squeeze %dma_start3A_305 : memref<1x64x768xf32, #tpu.memory_space<hbm>> -> memref<64x768xf32, #tpu.memory_space<hbm>>
      %dma_start3A_307 = tpu.memref_slice %arg9[%dma_start3A_299] : memref<5x!tpu.dma_semaphore, #tpu.memory_space<semaphore_mem>> -> memref<1x!tpu.dma_semaphore, #tpu.memory_space<semaphore_mem>>
      %dma_start3A_308 = tpu.memref_squeeze %dma_start3A_307 : memref<1x!tpu.dma_semaphore, #tpu.memory_space<semaphore_mem>> -> memref<!tpu.dma_semaphore, #tpu.memory_space<semaphore_mem>>
      %dma_start3A_309 = arith.constant 320 : i32
      %dma_start3A_310 = arith.constant 0 : i32
      %dma_start3A_311 = tpu.memref_slice %arg4[%select_n3A, %dma_start3A_309, %dma_start3A_310] : memref<16x513x768xf32, #tpu.memory_space<hbm>> -> memref<1x64x768xf32, #tpu.memory_space<hbm>>
      %dma_start3A_312 = tpu.memref_squeeze %dma_start3A_311 : memref<1x64x768xf32, #tpu.memory_space<hbm>> -> memref<64x768xf32, #tpu.memory_space<hbm>>
      %dma_start3A_313 = arith.constant 0 : i32
      %dma_start3A_314 = arith.constant 0 : i32
      %dma_start3A_315 = tpu.memref_slice %arg6[%dma_start3A_313, %dma_start3A_314] : memref<80x768xf32, #tpu.memory_space<vmem>> -> memref<64x768xf32, #tpu.memory_space<vmem>>
      tpu.enqueue_dma source(%dma_start3A_315 : memref<64x768xf32, #tpu.memory_space<vmem>>) target(%dma_start3A_312 : memref<64x768xf32, #tpu.memory_space<hbm>>) target_semaphore(%dma_start3A_308 : memref<!tpu.dma_semaphore, #tpu.memory_space<semaphore_mem>>)
      %dma_wait3A_316 = arith.constant 0 : i32
      %dma_wait3A_317 = arith.constant 0 : i32
      %dma_wait3A_318 = arith.constant 0 : i32
      %dma_wait3A_319 = tpu.memref_slice %arg5[%dma_wait3A_317, %dma_wait3A_318] : memref<80x768xf32, #tpu.memory_space<vmem>> -> memref<64x768xf32, #tpu.memory_space<vmem>>
      %dma_wait3A_320 = arith.constant 256 : i32
      %dma_wait3A_321 = arith.constant 0 : i32
      %dma_wait3A_322 = tpu.memref_slice %arg4[%select_n3A, %dma_wait3A_320, %dma_wait3A_321] : memref<16x513x768xf32, #tpu.memory_space<hbm>> -> memref<1x64x768xf32, #tpu.memory_space<hbm>>
      %dma_wait3A_323 = tpu.memref_squeeze %dma_wait3A_322 : memref<1x64x768xf32, #tpu.memory_space<hbm>> -> memref<64x768xf32, #tpu.memory_space<hbm>>
      %dma_wait3A_324 = tpu.memref_slice %arg9[%dma_wait3A_316] : memref<5x!tpu.dma_semaphore, #tpu.memory_space<semaphore_mem>> -> memref<1x!tpu.dma_semaphore, #tpu.memory_space<semaphore_mem>>
      %dma_wait3A_325 = tpu.memref_squeeze %dma_wait3A_324 : memref<1x!tpu.dma_semaphore, #tpu.memory_space<semaphore_mem>> -> memref<!tpu.dma_semaphore, #tpu.memory_space<semaphore_mem>>
      %dma_wait3A_326 = arith.constant 256 : i32
      %dma_wait3A_327 = arith.constant 0 : i32
      %dma_wait3A_328 = tpu.memref_slice %arg4[%select_n3A, %dma_wait3A_326, %dma_wait3A_327] : memref<16x513x768xf32, #tpu.memory_space<hbm>> -> memref<1x64x768xf32, #tpu.memory_space<hbm>>
      %dma_wait3A_329 = tpu.memref_squeeze %dma_wait3A_328 : memref<1x64x768xf32, #tpu.memory_space<hbm>> -> memref<64x768xf32, #tpu.memory_space<hbm>>
      %dma_wait3A_330 = arith.constant 0 : i32
      %dma_wait3A_331 = arith.constant 0 : i32
      %dma_wait3A_332 = tpu.memref_slice %arg5[%dma_wait3A_330, %dma_wait3A_331] : memref<80x768xf32, #tpu.memory_space<vmem>> -> memref<64x768xf32, #tpu.memory_space<vmem>>
      tpu.wait_dma2 semaphore(%dma_wait3A_325 : memref<!tpu.dma_semaphore, #tpu.memory_space<semaphore_mem>>) src(%dma_wait3A_332 : memref<64x768xf32, #tpu.memory_space<vmem>>) dst(%dma_wait3A_329 : memref<64x768xf32, #tpu.memory_space<hbm>>)
      %dma_start3A_333 = arith.constant 2 : i32
      %dma_start3A_334 = arith.constant 0 : i32
      %dma_start3A_335 = arith.constant 0 : i32
      %dma_start3A_336 = tpu.memref_slice %arg5[%dma_start3A_334, %dma_start3A_335] : memref<80x768xf32, #tpu.memory_space<vmem>> -> memref<64x768xf32, #tpu.memory_space<vmem>>
      %dma_start3A_337 = arith.constant 128 : i32
      %dma_start3A_338 = tpu.memref_slice %arg7[%dma_start3A_337] : memref<272xi32, #tpu.memory_space<vmem>> -> memref<64xi32, #tpu.memory_space<vmem>>
      %dma_start3A_339 = arith.constant 0 : i32
      %dma_start3A_340 = arith.constant 0 : i32
      %dma_start3A_341 = tpu.memref_slice %arg2[%select_n3A, %dma_start3A_339, %dma_start3A_340] : memref<16x512x768xf32, #tpu.memory_space<hbm>> -> memref<1x512x768xf32, #tpu.memory_space<hbm>>
      %dma_start3A_342 = tpu.memref_squeeze %dma_start3A_341 : memref<1x512x768xf32, #tpu.memory_space<hbm>> -> memref<512x768xf32, #tpu.memory_space<hbm>>
      %dma_start3A_343 = arith.constant 0 : i32
      %dma_start3A_344 = arith.constant 0 : i32
      %dma_start3A_345 = tpu.memref_slice %dma_start3A_342[%dma_start3A_343, %dma_start3A_344] : memref<512x768xf32, #tpu.memory_space<hbm>> -> memref<512x768xf32, #tpu.memory_space<hbm>>
      %dma_start3A_346 = tpu.memref_slice %arg8[%dma_start3A_333] : memref<4x!tpu.dma_semaphore, #tpu.memory_space<semaphore_mem>> -> memref<1x!tpu.dma_semaphore, #tpu.memory_space<semaphore_mem>>
      %dma_start3A_347 = tpu.memref_squeeze %dma_start3A_346 : memref<1x!tpu.dma_semaphore, #tpu.memory_space<semaphore_mem>> -> memref<!tpu.dma_semaphore, #tpu.memory_space<semaphore_mem>>
      tpu.enqueue_indirect_dma source(%dma_start3A_345 : memref<512x768xf32, #tpu.memory_space<hbm>>) target(%dma_start3A_336 : memref<64x768xf32, #tpu.memory_space<vmem>>) offsets(%dma_start3A_338 : memref<64xi32, #tpu.memory_space<vmem>>) semaphore(%dma_start3A_347 : memref<!tpu.dma_semaphore, #tpu.memory_space<semaphore_mem>>)
      %dma_wait3A_348 = arith.constant 1 : i32
      %dma_wait3A_349 = arith.constant 0 : i32
      %dma_wait3A_350 = arith.constant 0 : i32
      %dma_wait3A_351 = tpu.memref_slice %arg6[%dma_wait3A_349, %dma_wait3A_350] : memref<80x768xf32, #tpu.memory_space<vmem>> -> memref<64x768xf32, #tpu.memory_space<vmem>>
      %dma_wait3A_352 = arith.constant 320 : i32
      %dma_wait3A_353 = arith.constant 0 : i32
      %dma_wait3A_354 = tpu.memref_slice %arg4[%select_n3A, %dma_wait3A_352, %dma_wait3A_353] : memref<16x513x768xf32, #tpu.memory_space<hbm>> -> memref<1x64x768xf32, #tpu.memory_space<hbm>>
      %dma_wait3A_355 = tpu.memref_squeeze %dma_wait3A_354 : memref<1x64x768xf32, #tpu.memory_space<hbm>> -> memref<64x768xf32, #tpu.memory_space<hbm>>
      %dma_wait3A_356 = tpu.memref_slice %arg9[%dma_wait3A_348] : memref<5x!tpu.dma_semaphore, #tpu.memory_space<semaphore_mem>> -> memref<1x!tpu.dma_semaphore, #tpu.memory_space<semaphore_mem>>
      %dma_wait3A_357 = tpu.memref_squeeze %dma_wait3A_356 : memref<1x!tpu.dma_semaphore, #tpu.memory_space<semaphore_mem>> -> memref<!tpu.dma_semaphore, #tpu.memory_space<semaphore_mem>>
      %dma_wait3A_358 = arith.constant 320 : i32
      %dma_wait3A_359 = arith.constant 0 : i32
      %dma_wait3A_360 = tpu.memref_slice %arg4[%select_n3A, %dma_wait3A_358, %dma_wait3A_359] : memref<16x513x768xf32, #tpu.memory_space<hbm>> -> memref<1x64x768xf32, #tpu.memory_space<hbm>>
      %dma_wait3A_361 = tpu.memref_squeeze %dma_wait3A_360 : memref<1x64x768xf32, #tpu.memory_space<hbm>> -> memref<64x768xf32, #tpu.memory_space<hbm>>
      %dma_wait3A_362 = arith.constant 0 : i32
      %dma_wait3A_363 = arith.constant 0 : i32
      %dma_wait3A_364 = tpu.memref_slice %arg6[%dma_wait3A_362, %dma_wait3A_363] : memref<80x768xf32, #tpu.memory_space<vmem>> -> memref<64x768xf32, #tpu.memory_space<vmem>>
      tpu.wait_dma2 semaphore(%dma_wait3A_357 : memref<!tpu.dma_semaphore, #tpu.memory_space<semaphore_mem>>) src(%dma_wait3A_364 : memref<64x768xf32, #tpu.memory_space<vmem>>) dst(%dma_wait3A_361 : memref<64x768xf32, #tpu.memory_space<hbm>>)
      %dma_start3A_365 = arith.constant 3 : i32
      %dma_start3A_366 = arith.constant 192 : i32
      %dma_start3A_367 = tpu.memref_slice %arg7[%dma_start3A_366] : memref<272xi32, #tpu.memory_space<vmem>> -> memref<80xi32, #tpu.memory_space<vmem>>
      %dma_start3A_368 = arith.constant 0 : i32
      %dma_start3A_369 = arith.constant 0 : i32
      %dma_start3A_370 = tpu.memref_slice %arg2[%select_n3A, %dma_start3A_368, %dma_start3A_369] : memref<16x512x768xf32, #tpu.memory_space<hbm>> -> memref<1x512x768xf32, #tpu.memory_space<hbm>>
      %dma_start3A_371 = tpu.memref_squeeze %dma_start3A_370 : memref<1x512x768xf32, #tpu.memory_space<hbm>> -> memref<512x768xf32, #tpu.memory_space<hbm>>
      %dma_start3A_372 = arith.constant 0 : i32
      %dma_start3A_373 = arith.constant 0 : i32
      %dma_start3A_374 = tpu.memref_slice %dma_start3A_371[%dma_start3A_372, %dma_start3A_373] : memref<512x768xf32, #tpu.memory_space<hbm>> -> memref<512x768xf32, #tpu.memory_space<hbm>>
      %dma_start3A_375 = tpu.memref_slice %arg8[%dma_start3A_365] : memref<4x!tpu.dma_semaphore, #tpu.memory_space<semaphore_mem>> -> memref<1x!tpu.dma_semaphore, #tpu.memory_space<semaphore_mem>>
      %dma_start3A_376 = tpu.memref_squeeze %dma_start3A_375 : memref<1x!tpu.dma_semaphore, #tpu.memory_space<semaphore_mem>> -> memref<!tpu.dma_semaphore, #tpu.memory_space<semaphore_mem>>
      tpu.enqueue_indirect_dma source(%dma_start3A_374 : memref<512x768xf32, #tpu.memory_space<hbm>>) target(%arg6 : memref<80x768xf32, #tpu.memory_space<vmem>>) offsets(%dma_start3A_367 : memref<80xi32, #tpu.memory_space<vmem>>) semaphore(%dma_start3A_376 : memref<!tpu.dma_semaphore, #tpu.memory_space<semaphore_mem>>)
      %dma_wait3A_377 = arith.constant 2 : i32
      %dma_wait3A_378 = arith.constant 0 : i32
      %dma_wait3A_379 = arith.constant 0 : i32
      %dma_wait3A_380 = tpu.memref_slice %arg5[%dma_wait3A_378, %dma_wait3A_379] : memref<80x768xf32, #tpu.memory_space<vmem>> -> memref<64x768xf32, #tpu.memory_space<vmem>>
      %dma_wait3A_381 = arith.constant 128 : i32
      %dma_wait3A_382 = tpu.memref_slice %arg7[%dma_wait3A_381] : memref<272xi32, #tpu.memory_space<vmem>> -> memref<64xi32, #tpu.memory_space<vmem>>
      %dma_wait3A_383 = arith.constant 0 : i32
      %dma_wait3A_384 = arith.constant 0 : i32
      %dma_wait3A_385 = tpu.memref_slice %arg2[%select_n3A, %dma_wait3A_383, %dma_wait3A_384] : memref<16x512x768xf32, #tpu.memory_space<hbm>> -> memref<1x512x768xf32, #tpu.memory_space<hbm>>
      %dma_wait3A_386 = tpu.memref_squeeze %dma_wait3A_385 : memref<1x512x768xf32, #tpu.memory_space<hbm>> -> memref<512x768xf32, #tpu.memory_space<hbm>>
      %dma_wait3A_387 = arith.constant 0 : i32
      %dma_wait3A_388 = arith.constant 0 : i32
      %dma_wait3A_389 = tpu.memref_slice %dma_wait3A_386[%dma_wait3A_387, %dma_wait3A_388] : memref<512x768xf32, #tpu.memory_space<hbm>> -> memref<512x768xf32, #tpu.memory_space<hbm>>
      %dma_wait3A_390 = tpu.memref_slice %arg8[%dma_wait3A_377] : memref<4x!tpu.dma_semaphore, #tpu.memory_space<semaphore_mem>> -> memref<1x!tpu.dma_semaphore, #tpu.memory_space<semaphore_mem>>
      %dma_wait3A_391 = tpu.memref_squeeze %dma_wait3A_390 : memref<1x!tpu.dma_semaphore, #tpu.memory_space<semaphore_mem>> -> memref<!tpu.dma_semaphore, #tpu.memory_space<semaphore_mem>>
      tpu.wait_indirect_dma semaphore(%dma_wait3A_391 : memref<!tpu.dma_semaphore, #tpu.memory_space<semaphore_mem>>) src(%dma_wait3A_389 : memref<512x768xf32, #tpu.memory_space<hbm>>) dst(%dma_wait3A_380 : memref<64x768xf32, #tpu.memory_space<vmem>>)
      %dma_start3A_392 = arith.constant 2 : i32
      %dma_start3A_393 = arith.constant 0 : i32
      %dma_start3A_394 = arith.constant 0 : i32
      %dma_start3A_395 = tpu.memref_slice %arg5[%dma_start3A_393, %dma_start3A_394] : memref<80x768xf32, #tpu.memory_space<vmem>> -> memref<64x768xf32, #tpu.memory_space<vmem>>
      %dma_start3A_396 = arith.constant 384 : i32
      %dma_start3A_397 = arith.constant 0 : i32
      %dma_start3A_398 = tpu.memref_slice %arg4[%select_n3A, %dma_start3A_396, %dma_start3A_397] : memref<16x513x768xf32, #tpu.memory_space<hbm>> -> memref<1x64x768xf32, #tpu.memory_space<hbm>>
      %dma_start3A_399 = tpu.memref_squeeze %dma_start3A_398 : memref<1x64x768xf32, #tpu.memory_space<hbm>> -> memref<64x768xf32, #tpu.memory_space<hbm>>
      %dma_start3A_400 = tpu.memref_slice %arg9[%dma_start3A_392] : memref<5x!tpu.dma_semaphore, #tpu.memory_space<semaphore_mem>> -> memref<1x!tpu.dma_semaphore, #tpu.memory_space<semaphore_mem>>
      %dma_start3A_401 = tpu.memref_squeeze %dma_start3A_400 : memref<1x!tpu.dma_semaphore, #tpu.memory_space<semaphore_mem>> -> memref<!tpu.dma_semaphore, #tpu.memory_space<semaphore_mem>>
      %dma_start3A_402 = arith.constant 384 : i32
      %dma_start3A_403 = arith.constant 0 : i32
      %dma_start3A_404 = tpu.memref_slice %arg4[%select_n3A, %dma_start3A_402, %dma_start3A_403] : memref<16x513x768xf32, #tpu.memory_space<hbm>> -> memref<1x64x768xf32, #tpu.memory_space<hbm>>
      %dma_start3A_405 = tpu.memref_squeeze %dma_start3A_404 : memref<1x64x768xf32, #tpu.memory_space<hbm>> -> memref<64x768xf32, #tpu.memory_space<hbm>>
      %dma_start3A_406 = arith.constant 0 : i32
      %dma_start3A_407 = arith.constant 0 : i32
      %dma_start3A_408 = tpu.memref_slice %arg5[%dma_start3A_406, %dma_start3A_407] : memref<80x768xf32, #tpu.memory_space<vmem>> -> memref<64x768xf32, #tpu.memory_space<vmem>>
      tpu.enqueue_dma source(%dma_start3A_408 : memref<64x768xf32, #tpu.memory_space<vmem>>) target(%dma_start3A_405 : memref<64x768xf32, #tpu.memory_space<hbm>>) target_semaphore(%dma_start3A_401 : memref<!tpu.dma_semaphore, #tpu.memory_space<semaphore_mem>>)
      %dma_wait3A_409 = arith.constant 3 : i32
      %dma_wait3A_410 = arith.constant 192 : i32
      %dma_wait3A_411 = tpu.memref_slice %arg7[%dma_wait3A_410] : memref<272xi32, #tpu.memory_space<vmem>> -> memref<80xi32, #tpu.memory_space<vmem>>
      %dma_wait3A_412 = arith.constant 0 : i32
      %dma_wait3A_413 = arith.constant 0 : i32
      %dma_wait3A_414 = tpu.memref_slice %arg2[%select_n3A, %dma_wait3A_412, %dma_wait3A_413] : memref<16x512x768xf32, #tpu.memory_space<hbm>> -> memref<1x512x768xf32, #tpu.memory_space<hbm>>
      %dma_wait3A_415 = tpu.memref_squeeze %dma_wait3A_414 : memref<1x512x768xf32, #tpu.memory_space<hbm>> -> memref<512x768xf32, #tpu.memory_space<hbm>>
      %dma_wait3A_416 = arith.constant 0 : i32
      %dma_wait3A_417 = arith.constant 0 : i32
      %dma_wait3A_418 = tpu.memref_slice %dma_wait3A_415[%dma_wait3A_416, %dma_wait3A_417] : memref<512x768xf32, #tpu.memory_space<hbm>> -> memref<512x768xf32, #tpu.memory_space<hbm>>
      %dma_wait3A_419 = tpu.memref_slice %arg8[%dma_wait3A_409] : memref<4x!tpu.dma_semaphore, #tpu.memory_space<semaphore_mem>> -> memref<1x!tpu.dma_semaphore, #tpu.memory_space<semaphore_mem>>
      %dma_wait3A_420 = tpu.memref_squeeze %dma_wait3A_419 : memref<1x!tpu.dma_semaphore, #tpu.memory_space<semaphore_mem>> -> memref<!tpu.dma_semaphore, #tpu.memory_space<semaphore_mem>>
      tpu.wait_indirect_dma semaphore(%dma_wait3A_420 : memref<!tpu.dma_semaphore, #tpu.memory_space<semaphore_mem>>) src(%dma_wait3A_418 : memref<512x768xf32, #tpu.memory_space<hbm>>) dst(%arg6 : memref<80x768xf32, #tpu.memory_space<vmem>>)
      %dma_start3A_421 = arith.constant 3 : i32
      %dma_start3A_422 = arith.constant 0 : i32
      %dma_start3A_423 = arith.constant 0 : i32
      %dma_start3A_424 = tpu.memref_slice %arg6[%dma_start3A_422, %dma_start3A_423] : memref<80x768xf32, #tpu.memory_space<vmem>> -> memref<64x768xf32, #tpu.memory_space<vmem>>
      %dma_start3A_425 = arith.constant 448 : i32
      %dma_start3A_426 = arith.constant 0 : i32
      %dma_start3A_427 = tpu.memref_slice %arg4[%select_n3A, %dma_start3A_425, %dma_start3A_426] : memref<16x513x768xf32, #tpu.memory_space<hbm>> -> memref<1x64x768xf32, #tpu.memory_space<hbm>>
      %dma_start3A_428 = tpu.memref_squeeze %dma_start3A_427 : memref<1x64x768xf32, #tpu.memory_space<hbm>> -> memref<64x768xf32, #tpu.memory_space<hbm>>
      %dma_start3A_429 = tpu.memref_slice %arg9[%dma_start3A_421] : memref<5x!tpu.dma_semaphore, #tpu.memory_space<semaphore_mem>> -> memref<1x!tpu.dma_semaphore, #tpu.memory_space<semaphore_mem>>
      %dma_start3A_430 = tpu.memref_squeeze %dma_start3A_429 : memref<1x!tpu.dma_semaphore, #tpu.memory_space<semaphore_mem>> -> memref<!tpu.dma_semaphore, #tpu.memory_space<semaphore_mem>>
      %dma_start3A_431 = arith.constant 448 : i32
      %dma_start3A_432 = arith.constant 0 : i32
      %dma_start3A_433 = tpu.memref_slice %arg4[%select_n3A, %dma_start3A_431, %dma_start3A_432] : memref<16x513x768xf32, #tpu.memory_space<hbm>> -> memref<1x64x768xf32, #tpu.memory_space<hbm>>
      %dma_start3A_434 = tpu.memref_squeeze %dma_start3A_433 : memref<1x64x768xf32, #tpu.memory_space<hbm>> -> memref<64x768xf32, #tpu.memory_space<hbm>>
      %dma_start3A_435 = arith.constant 0 : i32
      %dma_start3A_436 = arith.constant 0 : i32
      %dma_start3A_437 = tpu.memref_slice %arg6[%dma_start3A_435, %dma_start3A_436] : memref<80x768xf32, #tpu.memory_space<vmem>> -> memref<64x768xf32, #tpu.memory_space<vmem>>
      tpu.enqueue_dma source(%dma_start3A_437 : memref<64x768xf32, #tpu.memory_space<vmem>>) target(%dma_start3A_434 : memref<64x768xf32, #tpu.memory_space<hbm>>) target_semaphore(%dma_start3A_430 : memref<!tpu.dma_semaphore, #tpu.memory_space<semaphore_mem>>)
      %dma_start3A_438 = arith.constant 4 : i32
      %dma_start3A_439 = arith.constant 64 : i32
      %dma_start3A_440 = arith.constant 0 : i32
      %dma_start3A_441 = tpu.memref_slice %arg6[%dma_start3A_439, %dma_start3A_440] : memref<80x768xf32, #tpu.memory_space<vmem>> -> memref<16x768xf32, #tpu.memory_space<vmem>>
      %dma_start3A_442 = arith.constant 0 : i32
      %dma_start3A_443 = arith.constant 0 : i32
      %dma_start3A_444 = tpu.memref_slice %arg4[%select_n3A, %dma_start3A_442, %dma_start3A_443] : memref<16x513x768xf32, #tpu.memory_space<hbm>> -> memref<1x513x768xf32, #tpu.memory_space<hbm>>
      %dma_start3A_445 = tpu.memref_squeeze %dma_start3A_444 : memref<1x513x768xf32, #tpu.memory_space<hbm>> -> memref<513x768xf32, #tpu.memory_space<hbm>>
      %dma_start3A_446 = arith.constant 0 : i32
      %dma_start3A_447 = arith.constant 0 : i32
      %dma_start3A_448 = tpu.memref_slice %dma_start3A_445[%dma_start3A_446, %dma_start3A_447] : memref<513x768xf32, #tpu.memory_space<hbm>> -> memref<513x768xf32, #tpu.memory_space<hbm>>
      %dma_start3A_449 = tpu.memref_slice %arg9[%dma_start3A_438] : memref<5x!tpu.dma_semaphore, #tpu.memory_space<semaphore_mem>> -> memref<1x!tpu.dma_semaphore, #tpu.memory_space<semaphore_mem>>
      %dma_start3A_450 = tpu.memref_squeeze %dma_start3A_449 : memref<1x!tpu.dma_semaphore, #tpu.memory_space<semaphore_mem>> -> memref<!tpu.dma_semaphore, #tpu.memory_space<semaphore_mem>>
      tpu.enqueue_indirect_dma source(%dma_start3A_441 : memref<16x768xf32, #tpu.memory_space<vmem>>) target(%dma_start3A_448 : memref<513x768xf32, #tpu.memory_space<hbm>>) offsets(%broadcast_in_dim3A_223 : vector<16xi32>) semaphore(%dma_start3A_450 : memref<!tpu.dma_semaphore, #tpu.memory_space<semaphore_mem>>)
      %dma_wait3A_451 = arith.constant 2 : i32
      %dma_wait3A_452 = arith.constant 0 : i32
      %dma_wait3A_453 = arith.constant 0 : i32
      %dma_wait3A_454 = tpu.memref_slice %arg5[%dma_wait3A_452, %dma_wait3A_453] : memref<80x768xf32, #tpu.memory_space<vmem>> -> memref<64x768xf32, #tpu.memory_space<vmem>>
      %dma_wait3A_455 = arith.constant 384 : i32
      %dma_wait3A_456 = arith.constant 0 : i32
      %dma_wait3A_457 = tpu.memref_slice %arg4[%select_n3A, %dma_wait3A_455, %dma_wait3A_456] : memref<16x513x768xf32, #tpu.memory_space<hbm>> -> memref<1x64x768xf32, #tpu.memory_space<hbm>>
      %dma_wait3A_458 = tpu.memref_squeeze %dma_wait3A_457 : memref<1x64x768xf32, #tpu.memory_space<hbm>> -> memref<64x768xf32, #tpu.memory_space<hbm>>
      %dma_wait3A_459 = tpu.memref_slice %arg9[%dma_wait3A_451] : memref<5x!tpu.dma_semaphore, #tpu.memory_space<semaphore_mem>> -> memref<1x!tpu.dma_semaphore, #tpu.memory_space<semaphore_mem>>
      %dma_wait3A_460 = tpu.memref_squeeze %dma_wait3A_459 : memref<1x!tpu.dma_semaphore, #tpu.memory_space<semaphore_mem>> -> memref<!tpu.dma_semaphore, #tpu.memory_space<semaphore_mem>>
      %dma_wait3A_461 = arith.constant 384 : i32
      %dma_wait3A_462 = arith.constant 0 : i32
      %dma_wait3A_463 = tpu.memref_slice %arg4[%select_n3A, %dma_wait3A_461, %dma_wait3A_462] : memref<16x513x768xf32, #tpu.memory_space<hbm>> -> memref<1x64x768xf32, #tpu.memory_space<hbm>>
      %dma_wait3A_464 = tpu.memref_squeeze %dma_wait3A_463 : memref<1x64x768xf32, #tpu.memory_space<hbm>> -> memref<64x768xf32, #tpu.memory_space<hbm>>
      %dma_wait3A_465 = arith.constant 0 : i32
      %dma_wait3A_466 = arith.constant 0 : i32
      %dma_wait3A_467 = tpu.memref_slice %arg5[%dma_wait3A_465, %dma_wait3A_466] : memref<80x768xf32, #tpu.memory_space<vmem>> -> memref<64x768xf32, #tpu.memory_space<vmem>>
      tpu.wait_dma2 semaphore(%dma_wait3A_460 : memref<!tpu.dma_semaphore, #tpu.memory_space<semaphore_mem>>) src(%dma_wait3A_467 : memref<64x768xf32, #tpu.memory_space<vmem>>) dst(%dma_wait3A_464 : memref<64x768xf32, #tpu.memory_space<hbm>>)
      %dma_wait3A_468 = arith.constant 3 : i32
      %dma_wait3A_469 = arith.constant 0 : i32
      %dma_wait3A_470 = arith.constant 0 : i32
      %dma_wait3A_471 = tpu.memref_slice %arg6[%dma_wait3A_469, %dma_wait3A_470] : memref<80x768xf32, #tpu.memory_space<vmem>> -> memref<64x768xf32, #tpu.memory_space<vmem>>
      %dma_wait3A_472 = arith.constant 448 : i32
      %dma_wait3A_473 = arith.constant 0 : i32
      %dma_wait3A_474 = tpu.memref_slice %arg4[%select_n3A, %dma_wait3A_472, %dma_wait3A_473] : memref<16x513x768xf32, #tpu.memory_space<hbm>> -> memref<1x64x768xf32, #tpu.memory_space<hbm>>
      %dma_wait3A_475 = tpu.memref_squeeze %dma_wait3A_474 : memref<1x64x768xf32, #tpu.memory_space<hbm>> -> memref<64x768xf32, #tpu.memory_space<hbm>>
      %dma_wait3A_476 = tpu.memref_slice %arg9[%dma_wait3A_468] : memref<5x!tpu.dma_semaphore, #tpu.memory_space<semaphore_mem>> -> memref<1x!tpu.dma_semaphore, #tpu.memory_space<semaphore_mem>>
      %dma_wait3A_477 = tpu.memref_squeeze %dma_wait3A_476 : memref<1x!tpu.dma_semaphore, #tpu.memory_space<semaphore_mem>> -> memref<!tpu.dma_semaphore, #tpu.memory_space<semaphore_mem>>
      %dma_wait3A_478 = arith.constant 448 : i32
      %dma_wait3A_479 = arith.constant 0 : i32
      %dma_wait3A_480 = tpu.memref_slice %arg4[%select_n3A, %dma_wait3A_478, %dma_wait3A_479] : memref<16x513x768xf32, #tpu.memory_space<hbm>> -> memref<1x64x768xf32, #tpu.memory_space<hbm>>
      %dma_wait3A_481 = tpu.memref_squeeze %dma_wait3A_480 : memref<1x64x768xf32, #tpu.memory_space<hbm>> -> memref<64x768xf32, #tpu.memory_space<hbm>>
      %dma_wait3A_482 = arith.constant 0 : i32
      %dma_wait3A_483 = arith.constant 0 : i32
      %dma_wait3A_484 = tpu.memref_slice %arg6[%dma_wait3A_482, %dma_wait3A_483] : memref<80x768xf32, #tpu.memory_space<vmem>> -> memref<64x768xf32, #tpu.memory_space<vmem>>
      tpu.wait_dma2 semaphore(%dma_wait3A_477 : memref<!tpu.dma_semaphore, #tpu.memory_space<semaphore_mem>>) src(%dma_wait3A_484 : memref<64x768xf32, #tpu.memory_space<vmem>>) dst(%dma_wait3A_481 : memref<64x768xf32, #tpu.memory_space<hbm>>)
      %dma_wait3A_485 = arith.constant 4 : i32
      %dma_wait3A_486 = arith.constant 64 : i32
      %dma_wait3A_487 = arith.constant 0 : i32
      %dma_wait3A_488 = tpu.memref_slice %arg6[%dma_wait3A_486, %dma_wait3A_487] : memref<80x768xf32, #tpu.memory_space<vmem>> -> memref<16x768xf32, #tpu.memory_space<vmem>>
      %dma_wait3A_489 = arith.constant 0 : i32
      %dma_wait3A_490 = arith.constant 0 : i32
      %dma_wait3A_491 = tpu.memref_slice %arg4[%select_n3A, %dma_wait3A_489, %dma_wait3A_490] : memref<16x513x768xf32, #tpu.memory_space<hbm>> -> memref<1x513x768xf32, #tpu.memory_space<hbm>>
      %dma_wait3A_492 = tpu.memref_squeeze %dma_wait3A_491 : memref<1x513x768xf32, #tpu.memory_space<hbm>> -> memref<513x768xf32, #tpu.memory_space<hbm>>
      %dma_wait3A_493 = arith.constant 0 : i32
      %dma_wait3A_494 = arith.constant 0 : i32
      %dma_wait3A_495 = tpu.memref_slice %dma_wait3A_492[%dma_wait3A_493, %dma_wait3A_494] : memref<513x768xf32, #tpu.memory_space<hbm>> -> memref<513x768xf32, #tpu.memory_space<hbm>>
      %dma_wait3A_496 = tpu.memref_slice %arg9[%dma_wait3A_485] : memref<5x!tpu.dma_semaphore, #tpu.memory_space<semaphore_mem>> -> memref<1x!tpu.dma_semaphore, #tpu.memory_space<semaphore_mem>>
      %dma_wait3A_497 = tpu.memref_squeeze %dma_wait3A_496 : memref<1x!tpu.dma_semaphore, #tpu.memory_space<semaphore_mem>> -> memref<!tpu.dma_semaphore, #tpu.memory_space<semaphore_mem>>
      tpu.wait_indirect_dma semaphore(%dma_wait3A_497 : memref<!tpu.dma_semaphore, #tpu.memory_space<semaphore_mem>>) src(%dma_wait3A_488 : memref<16x768xf32, #tpu.memory_space<vmem>>) dst(%dma_wait3A_495 : memref<513x768xf32, #tpu.memory_space<hbm>>)
    } else {
    }
    return
  }
}

</mosaic_0001>

<sc_bundles>
// kernel: _sc_call.3.cloned.1.call-start
scs
__scs_entry_jumppad:
0x0: {  	(pc) =	sbr.rel $0x88, $3  }
0x1: {  	(tag) =	ssettag $0x0;
	lr =	simm.s32 $0x1  }
0x2: {  	[smem:$0x3F9F] =	sst lr;
	_ =	strace $0xD0000000  }
0x3: {  	_ = 	snop  }
0x4: {  	_ = 	snop  }
0x5: {  	_ = 	snop  }
0x6: {  	_ = 	snop  }
0x7: {  	_ = 	snop  }
__scs_overlays_trampoline_lowered:
0x8: {  	[smem:$0x3FAE] =	sst s0  }
0x9: {  	[smem:$0x3FAF] =	sst s1  }
0xa: {  	[smem:$0x3FB0] =	sst s2  }
0xb: {  	[smem:$0x3FB1] =	sst s3  }
0xc: {  	[smem:$0x3FB2] =	sst s4  }
0xd: {  	[smem:$0x3FB3] =	sst s5  }
0xe: {  	[smem:$0x3FB4] =	sst s6  }
0xf: {  	[smem:$0x3FB5] =	sst s7  }
0x10: {  	[smem:$0x3FB6] =	sst s8  }
0x11: {  	[smem:$0x3FB7] =	sst s9;
	s0 =	simm.s32 @!p0 $0x0  }
0x12: {  	s1 =	sld [smem:$0x3F9D];
	s0 =	simm.s32 @p0 $0x1  }
0x13: {  	[smem:$0x3FB8] =	sst s0;
	s0 =	simm.s32 @!p1 $0x0  }
0x14: {  	s2 =	sld [smem:$0x3F9C];
	s0 =	simm.s32 @p1 $0x1  }
0x15: {  	[smem:$0x3FB9] =	sst s0;
	s0 =	simm.s32 @!p2 $0x0  }
0x16: {  	s3 =	sld [smem:$0x3FDB];
	s0 =	simm.s32 @p2 $0x1  }
0x17: {  	s4 =	simm.s32 $0x1BF5;
	[smem:$0x3FBB] =	sst s0  }
0x18: {  	s0 =	sld [smem:$0x3F9E];
	_ =	swait.ge [sflag:s4], $0x0  }
0x19: {  	s7 =	sld [smem:$0x3F9F]  }
0x1a: {  	s8 =	sadd.s32 $0xFFFFE003, lr  }
0x1b: {  	s9 =	sadd.s32 $0xFFFFFEF7, lr;
	s5 =	simm.s32 $0xFFFFFFFF;
	p2 =	slt.u32 s8, $0xFFFFF086  }
0x1c: {  	p1 =	slt.u32 s9, $0xF7A;
	s5 =	simm.s32 @!p2 $0x0  }
0x1d: {  	s5 =	simm.s32 @p1 $0x1;
	p0 =	seq.s32 s7, s2  }
0x1e: {  	s7 =	smul.u32 @!p0 $0xF7A, s2;
	p2 =	seq.s32 @!p0 s5, $0x0  }
0x1f: {  	s9 =	smul.u32 $0xF7A, s1;
	s8 =	simm.s32 @!p0 $0x1BF5;
	p2 =	por !p2, p0  }
0x20: {  	[sflag:s8] =	ssyncset.s32 @!p0 $0xFFFFF086;
	s6 =	sadd.s32 @!p0 s3, s7;
	s7 =	simm.s32 @!p0 $0x108  }
0x21: {  	s3 =	sadd.s32 s3, s9;
	s6 =	sadd.s32 @!p0 $0x88, s6;
	s7 =	simm.s32 @p2 $0x1082  }
0x22: {  	[simem:s7], [sflag:s8] =	dma.local @!p0 [hbm:s6], $0xF7A  }
0x23: {  	s9 =	sor.u32 $0xD0000000, s2;
	s6 =	simm.s32 $0x108;
	_ =	swait.ge @!p0 [sflag:s8], $0x0  }
0x24: {  	s3 =	sadd.s32 $0x88, s3;
	s6 =	simm.s32 @!p1 $0x1082;
	[sflag:s4] =	ssyncset.s32 $0xFFFFF086  }
0x25: {  	[simem:s6], [sflag:s4] =	dma.local [hbm:s3], $0xF7A  }
0x26: {  	[smem:$0x3F9F] =	sst s1;
	(tag) =	ssettag s2;
	_ =	strace s9  }
0x27: {  	s1 =	sld [smem:$0x3FAF]  }
0x28: {  	s2 =	sld [smem:$0x3FB0]  }
0x29: {  	s4 =	sld [smem:$0x3FB2]  }
0x2a: {  	p0 =	seq.s32 s5, $0x0;
	s5 =	sld [smem:$0x3FB3]  }
0x2b: {  	s6 =	sld [smem:$0x3FB4]  }
0x2c: {  	s7 =	sld [smem:$0x3FB5]  }
0x2d: {  	s3 =	simm.s32 $0x108;
	s8 =	sld [smem:$0x3FB6]  }
0x2e: {  	s3 =	simm.s32 @!p0 $0x1082;
	s9 =	sld [smem:$0x3FB7]  }
0x2f: {  	lr =	sadd.s32 s0, s3;
	s0 =	sld [smem:$0x3FAE]  }
0x30: {  	s3 =	sld [smem:$0x3FB1]  }
0x31: {  	[smem:$0x3FBA] =	sst s10  }
0x32: {  	s10 =	sld [smem:$0x3FB8];
	_ =	sdelay $0x3  }
0x33: {  	p0 =	seq.s32 s10, $0x1;
	s10 =	sld [smem:$0x3FBA];
	_ =	sdelay $0x3  }
0x34: {  	[smem:$0x3FBA] =	sst s10  }
0x35: {  	s10 =	sld [smem:$0x3FB9];
	_ =	sdelay $0x3  }
0x36: {  	p1 =	seq.s32 s10, $0x1;
	s10 =	sld [smem:$0x3FBA];
	_ =	sdelay $0x3  }
0x37: {  	[smem:$0x3FBA] =	sst s10  }
0x38: {  	s10 =	sld [smem:$0x3FBB]  }
0x39: {  	_ = 	snop;
	(pc) =	sbr.ind lr, $3  }
0x3a: {  	_ = 	snop  }
0x3b: {  	_ = 	snop  }
0x3c: {  	p2 =	seq.s32 s10, $0x1;
	s10 =	sld [smem:$0x3FBA]  }
0x3d: {  	_ =	shalt  }
0x3e: {  	_ =	shalt  }
0x3f: {  	_ =	shalt  }
0x40: {  	_ =	shalt  }
0x41: {  	_ =	shalt  }
0x42: {  	_ =	shalt  }
0x43: {  	_ =	shalt  }
0x44: {  	_ =	shalt  }
0x45: {  	_ =	shalt  }
0x46: {  	_ =	shalt  }
0x47: {  	_ =	shalt  }
0x48: {  	_ =	shalt  }
0x49: {  	_ =	shalt  }
0x4a: {  	_ =	shalt  }
0x4b: {  	_ =	shalt  }
0x4c: {  	_ =	shalt  }
0x4d: {  	_ =	shalt  }
0x4e: {  	_ =	shalt  }
0x4f: {  	_ =	shalt  }
0x50: {  	_ =	shalt  }
0x51: {  	_ =	shalt  }
0x52: {  	_ =	shalt  }
0x53: {  	_ =	shalt  }
0x54: {  	_ =	shalt  }
0x55: {  	_ =	shalt  }
0x56: {  	_ =	shalt  }
0x57: {  	_ =	shalt  }
0x58: {  	_ =	shalt  }
0x59: {  	_ =	shalt  }
0x5a: {  	_ =	shalt  }
0x5b: {  	_ =	shalt  }
0x5c: {  	_ =	shalt  }
0x5d: {  	_ =	shalt  }
0x5e: {  	_ =	shalt  }
0x5f: {  	_ =	shalt  }
0x60: {  	_ =	shalt  }
0x61: {  	_ =	shalt  }
0x62: {  	_ =	shalt  }
0x63: {  	_ =	shalt  }
0x64: {  	_ =	shalt  }
0x65: {  	_ =	shalt  }
0x66: {  	_ =	shalt  }
0x67: {  	_ =	shalt  }
0x68: {  	_ =	shalt  }
0x69: {  	_ =	shalt  }
0x6a: {  	_ =	shalt  }
0x6b: {  	_ =	shalt  }
0x6c: {  	_ =	shalt  }
0x6d: {  	_ =	shalt  }
0x6e: {  	_ =	shalt  }
0x6f: {  	_ =	shalt  }
0x70: {  	_ =	shalt  }
0x71: {  	_ =	shalt  }
0x72: {  	_ =	shalt  }
0x73: {  	_ =	shalt  }
0x74: {  	_ =	shalt  }
0x75: {  	_ =	shalt  }
0x76: {  	_ =	shalt  }
0x77: {  	_ =	shalt  }
0x78: {  	_ =	shalt  }
0x79: {  	_ =	shalt  }
0x7a: {  	_ =	shalt  }
0x7b: {  	_ =	shalt  }
0x7c: {  	_ =	shalt  }
0x7d: {  	_ =	shalt  }
0x7e: {  	_ =	shalt  }
0x7f: {  	_ =	shalt  }
0x80: {  	_ =	shalt  }
0x81: {  	_ =	shalt  }
0x82: {  	_ =	shalt  }
0x83: {  	_ =	shalt  }
0x84: {  	_ =	shalt  }
0x85: {  	_ =	shalt  }
0x86: {  	_ =	shalt  }
0x87: {  	_ =	shalt  }
.Lfunc_end0:
.L_simem_size_0:
called_computation_lowered:
.L_overlay_start_0:
0x88: {  	s2 =	sld [smem:$0x3FD9]  }
0x89: {  	s3 =	sld [smem:$0x3FFE];
	_ =	sdelay $0x1  }
0x8a: {  	s1 =	srdreg.scid  }
0x8b: {  	s0 =	sand.u32 $0x1, s1  }
0x8c: {  	s17 =	sshll.u32 s0, $0xA;
	s2 =	sadd.s32 s3, s2  }
0x8d: {  	s2 =	sadd.s32 s2, s17  }
0x8e: {  	[smem:$0x3FC6] =	sst s2  }
0x8f: {  	_ = 	snop  }
0x90: {  	s2 =	sld [smem:$0x3FC9]  }
0x91: {  	s18 =	sld [smem:$0x3FC8];
	(tm) =	ssettm $0x1  }
0x92: {  	s4 =	sld [smem:$0x3FFB];
	_ =	sdelay $0x3  }
0x93: {  	_ =	strace s4  }
0x94: {  	s4 =	sld [smem:$0x3FFC];
	_ =	sdelay $0x3  }
0x95: {  	_ =	strace s4  }
0x96: {  	s4 =	sld [smem:$0x3FFD];
	_ =	sdelay $0x3  }
0x97: {  	_ =	strace s4  }
0x98: {  	_ =	strace $0x8FFFFFFF  }
0x99: {  	s19 =	sld [smem:$0x3FDB];
	_ =	sdelay $0x1  }
0x9a: {  	s5 =	simm.s32 $_scs_section_size  }
0x9b: {  	s6 =	simm.s32 $_size__tile_overlayer_lowered;
	s7 =	simm.s32 $_tile_overlayer_lowered  }
0x9c: {  	s22 =	simm.s32 $0x1BFF;
	s21 =	sshll.u32 s7, $0x1;
	s4 =	sadd.s32 s5, s19  }
0x9d: {  	s8 =	simm.s32 $0x0;
	s20 =	sshll.u32 s6, $0x1;
	s6 =	sadd.s32 s21, s4  }
0x9e: {  	[timem:s8], [sflag:s22] =	dma.local [hbm:s6], s20  }
0x9f: {  	_ =	swait.ge [sflag:s22], s20  }
0xa0: {  	s5 =	ssub.s32 $0x0, s20;
	[sflag:s22] =	ssyncset.done $0x0  }
0xa1: {  	[sflag:s22] =	ssyncadd.s32 s5;
	_ =	sdelay $0x1  }
0xa2: {  	s23 =	simm.s32 $0x1B8B  }
0xa3: {  	_ =	swait.ge [sflag:s23], $0x1  }
0xa4: {  	[sflag:s23] =	ssyncset.done $0x0  }
0xa5: {  	s25 =	simm.s32 $0x1B8E;
	s24 =	sld [smem:$0x3FFE];
	[sflag:s23] =	ssyncadd.s32 $0xFFFFFFFF  }
0xa6: {  	s26 =	simm.s32 $execute0_lowered;
	[smem:$0x3FD2] =	sst s25  }
0xa7: {  	s6 =	sshll.u32 s26, $0x1;
	_ =	strace $0x80000046;
	[dreg:$0x1] =	wrdreg $0xFFFFFFFF  }
0xa8: {  	s28 =	simm.s32 $_size_execute0_lowered;
	s4 =	sadd.s32 s4, s6;
	[dreg:$0x0] =	wrdreg $0x0  }
0xa9: {  	s6 =	sshll.u32 s28, $0x1;
	[dreg:$0x2] =	wrdreg s4  }
0xaa: {  	[dreg:$0x3] =	wrdreg s6  }
0xab: {  	[dreg:$0x4] =	wrdreg $0xC0  }
0xac: {  	_ =	task [dreg:s8], $0x5FFFF  }
0xad: {  	[dreg:$0x1] =	wrdreg $0xFFFFFFFF  }
0xae: {  	[dreg:$0x0] =	wrdreg $0x60  }
0xaf: {  	[dreg:$0x2] =	wrdreg s2  }
0xb0: {  	[dreg:$0x3] =	wrdreg s18  }
0xb1: {  	[dreg:$0x4] =	wrdreg s24  }
0xb2: {  	[dreg:$0x5] =	wrdreg $0x9  }
0xb3: {  	_ =	task.clear_ibuf [dreg:s8], $0x6FFFF;
	_ =	strace $0x90000046  }
0xb4: {  	s29 =	simm.s32 $0x9;
	_ =	strace $0x80000048  }
0xb5: {  	_ =	swait.ge [sflag:s29], $0x1  }
0xb6: {  	[sflag:s29] =	ssyncadd.s32 $0xFFFFFFFF  }
0xb7: {  	_ =	strace $0x90000048  }
0xb8: {  	_ =	sfence  }
0xb9: {  	s30 =	sld [smem:$0x0];
	_ =	sdelay $0x2  }
0xba: {  	s31 =	sshll.u32 s1, $0xD;
	s1 =	sshrl.u32 s1, $0x2  }
0xbb: {  	s3 =	sand.u32 $0x4000, s31;
	s1 =	sadd.s32 s1, s30  }
0xbc: {  	s0 =	sor.u32 s3, s0;
	s1 =	sshll.u32 s1, $0x11  }
0xbd: {  	s0 =	sor.u32 s1, s0  }
0xbe: {  	s0 =	sadd.s32 $0x8F2B, s0  }
0xbf: {  	[sflag:s0] =	ssyncadd.remote.s32 $0x1  }
0xc0: {  	_ =	sfence.sel $0xFFFF  }
0xc1: {  	[dreg:$0x0] =	wrdreg $0xFFFFFFFF;
	(pc) =	sbr.abs _section_cstart, $3  }
0xc2: {  	[dreg:$0x1] =	wrdreg $0xFFFFFFFF  }
0xc3: {  	_ =	task.clear_ibuf [dreg:s8], $0x2FFFF;
	_ =	strace $0x9FFFFFFF  }
0xc4: {  	(tm) =	ssettm $0x7FFFFFFF  }
0xc5: {  	_ =	shalt  }
tec
execute0_lowered:
.L_overlay_start_1:
0x0: {  	(tag) =	ssettag $0x1  }
0x1: {  	v0 =	vlaneseq.u32;
	v2 =	vimm.s32 $0x636;
	vm0 =	vcmask $0x300  }
0x2: {  	v23 =	vimm.s32 $0xC00;
	v24 =	vimm.s32 $0xEDCBA987;
	v25 =	vimm.s32 $0x65432100  }
0x3: {  	v26 =	vimm.s32 $0x32313007;
	v28 =	vimm.s32 $0x36353433;
	vm1 =	vcmask $0x1F10  }
0x4: {  	s0 =	srdreg.scid;
	s15 =	rddreg [dreg:$0x0];
	v1 =	vadd.s32 $0xFF, v0;
	v3 =	vsel vm0, $0x5D7, v2;
	vm0 =	vcmask $0x704  }
0x5: {  	s5 =	stileid.u32;
	s12 =	rddreg [dreg:$0x1];
	v2 =	vadd.s32 $0x10F, v0;
	v16 =	vshrl.u32 v0, $0x3;
	v17 =	vor.u32 $0x8, v0  }
0x6: {  	s4 =	rddreg [dreg:$0x2];
	s3 =	simm.s32 $0x0;
	s0 =	sand.u32 $0x1, s0;
	v18 =	vadd.s32 $0x1DF, v0;
	v19 =	vadd.s32 $0x1EF, v0;
	v24 =	vunpack.c.l.s4.s8 v24  }
0x7: {  	s2 =	simm.s32 $0x1;
	[smem:$0x7FF] =	sst s3;
	v25 =	vunpack.c.l.s4.s8 v25;
	v26 =	vunpack.c.0.s8.s32 v26;
	v28 =	vunpack.c.0.s8.s32 v28;
	s1 =	sor.u32 s0, s5  }
0x8: {  	s8 =	sadd.s32 $0x400, s4;
	p0 =	seq.s32 s0, $0x1;
	v4 =	vsel vm0, $0x600, v3;
	vm0 =	vcmask $0xB08;
	v3 =	vadd.s32 $0x11F, v0;
	p1 =	seq.s32 s1, $0x0  }
0x9: {  	s26 =	sadd.s32 $0x10, s12;
	s28 =	sadd.s32 $0x20, s12;
	v16 =	vmul.u32 $0x8, v16;
	v29 =	vperm.xlane v23, v17;
	v5 =	vsel vm0, $0x601, v4;
	p1 =	por !p1, !p0  }
0xa: {  	s29 =	sadd.s32 $0x30, s12;
	s30 =	sadd.s32 $0x40, s12;
	vm0 =	vcmask $0xF0C;
	v4 =	vadd.s32 $0x12F, v0;
	v24 =	vunpack.c.0.s8.s32 v24;
	p1 =	por !p1, !p1  }
0xb: {  	_ =	strace $0x80000047;
	[dreg:$0xb] =	wrdreg s26;
	v30 =	vunpack.c.0.s8.s32 v25;
	v6 =	vsel vm0, $0x602, v5;
	vm0 =	vcmask $0x1310;
	s2 =	simm.s32 @!p1 $0x0  }
0xc: {  	s31 =	sadd.s32 $0x50, s12;
	[dreg:$0xc] =	wrdreg s28;
	v26 =	vsel vm1, v28, v26;
	v7 =	vsel vm0, $0x603, v6;
	vm0 =	vcmask $0x1714;
	s2 =	ssub.s32 s5, s2  }
0xd: {  	s16 =	ssub.s32 $0x2, s0;
	[dreg:$0xd] =	wrdreg s29;
	v5 =	vadd.s32 $0x13F, v0;
	v8 =	vsel vm0, $0x604, v7;
	vm0 =	vcmask $0x1B18;
	s7 =	smul.u32 $0x61800, s2  }
0xe: {  	[dreg:$0xe] =	wrdreg s30;
	s17 =	sshrl.u32 s16, $0x1;
	v6 =	vadd.s32 $0x14F, v0;
	v9 =	vsel vm0, $0x605, v8;
	vm0 =	vcmask $0x1F1C;
	s6 =	smul.u32 $0xC000, s2  }
0xf: {  	[dreg:$0xf] =	wrdreg s31;
	s11 =	ssub.s32 s16, s17;
	v25 =	vand.u32 $0xF, v24;
	s2 =	smul.u32 $0x60000, s2;
	v10 =	vsel vm0, $0x606, v9;
	vm0 =	vcmask $0x2320  }
0x10: {  	v24 =	vadd.s32 v16, v29;
	p1 =	seq.s32 s0, $0x0;
	v11 =	vsel vm0, $0x607, v10;
	vm0 =	vcmask $0x2724;
	s9 =	sshrl.u32 s7, $0x3;
	s6 =	sadd.s32 s15, s6  }
0x11: {  	v26 =	vcombine.low v30, v26;
	s2 =	sshrl.u32 s2, $0x3;
	s20 =	sadd.s32 $0x30000, s7;
	v12 =	vsel vm0, $0x630, v11;
	vm0 =	vcmask $0x2B28;
	s18 =	sadd.s32 s8, s9  }
0x12: {  	v7 =	vadd.s32 $0x15F, v0;
	s22 =	sadd.s32 $0x3C000, s7;
	v13 =	vsel vm0, $0x631, v12;
	vm0 =	vcmask $0x2F2C;
	s9 =	sadd.s32 $0x1800, s18;
	[dreg:$0x10] =	wrdreg s18  }
0x13: {  	v25 =	vcombine.low v30, v25;
	s23 =	sadd.s32 $0x48000, s7;
	s19 =	sadd.s32 $0x3000, s18;
	v14 =	vsel vm0, $0x632, v13;
	vm0 =	vcmask $0x3330;
	[dreg:$0x4] =	wrdreg s9  }
0x14: {  	v8 =	vadd.s32 $0x16F, v0;
	s21 =	sshrl.u32 s20, $0x3;
	s10 =	sadd.s32 $0x4800, s18;
	[dreg:$0x5] =	wrdreg s19;
	v15 =	vsel vm0, $0x633, v14;
	vm0 =	vcmask $0x3734  }
0x15: {  	v9 =	vadd.s32 $0x17F, v0;
	s7 =	sadd.s32 $0x54000, s7;
	s1 =	sadd.s32 s8, s21;
	[dreg:$0x6] =	wrdreg s10;
	v15 =	vsel vm0, $0x634, v15;
	vm0 =	vcmask $0x3B38  }
.Ltmp0:
0x16: {  	v10 =	vadd.s32 $0x18F, v0;
	[dreg:$0x7] =	wrdreg s1;
	s1 =	sshrl.u32 s22, $0x3;
	v20 =	vsel vm0, $0x635, v15;
	v15 =	vand.u32 $0x7, v0;
	(pc) =	sbr.rel .LBB2_1-.Ltmp0, $4  }
0x17: {  	v11 =	vadd.s32 $0x19F, v0;
	v12 =	vadd.s32 $0x1AF, v0;
	s10 =	sadd.s32 s15, s2;
	s2 =	sshrl.u32 s23, $0x3;
	s1 =	sadd.s32 s8, s1;
	v21 =	vperm.xlane v20, v15  }
0x18: {  	s25 =	sshrl.u32 s7, $0x3;
	v13 =	vadd.s32 $0x1BF, v0;
	s24 =	sadd.s32 s8, s2;
	[dreg:$0x8] =	wrdreg s1;
	v22 =	vperm.xlane v20, v17;
	v27 =	vperm.xlane v23, v15  }
0x19: {  	s15 =	smax.u32 s11, $0x1;
	v14 =	vadd.s32 $0x1CF, v0;
	[dreg:$0x9] =	wrdreg s24;
	s1 =	sadd.s32 s8, s25;
	vm0 =	vmmov $0xffff;
	v20 =	vimm.s32 $0x1FF  }
0x1a: {  	s21 =	sadd.s32 $0x100, s10;
	s23 =	sadd.s32 $0x200, s10;
	[dreg:$0xa] =	wrdreg s1;
	v21 =	vadd.s32 v16, v21;
	v22 =	vadd.s32 v16, v22;
	v23 =	vadd.s32 v16, v27  }
.LBB2_3:
0x1b: {  	[tilespmem:$0x1E000] =	vst v1  }
0x1c: {  	[tilespmem:$0x1E010] =	vst v2  }
0x1d: {  	[tilespmem:$0x1E020] =	vst v3  }
0x1e: {  	[tilespmem:$0x1E030] =	vst v4  }
0x1f: {  	[tilespmem:$0x1E040] =	vst v5  }
0x20: {  	[tilespmem:$0x1E050] =	vst v6  }
0x21: {  	[tilespmem:$0x1E060] =	vst v7  }
0x22: {  	[tilespmem:$0x1E070] =	vst v8  }
0x23: {  	[tilespmem:$0x1E080] =	vst v9  }
0x24: {  	[tilespmem:$0x1E090] =	vst v10  }
0x25: {  	[tilespmem:$0x1E0A0] =	vst v11  }
0x26: {  	[tilespmem:$0x1E0B0] =	vst v12  }
0x27: {  	[tilespmem:$0x1E0C0] =	vst v13  }
0x28: {  	[tilespmem:$0x1E0D0] =	vst v14  }
0x29: {  	[tilespmem:$0x1E0E0] =	vst v18  }
0x2a: {  	[tilespmem:$0x1E0F0] =	vst v19  }
0x2b: {  	[tilespmem:$0x1E100] =	vst v20  }
0x2c: {  	[tilespmem:s3], [sflag:$0x1] =	stream.indirect_vreg.gather [hbm4b:s10+s3], $0x80, v21, vm0, $0xb8;
	[tilespmem:$0x1E180] =	vst v63  }
0x2d: {  	s24 =	simm.s32 $0x800  }
0x2e: {  	[tilespmem:s24], [sflag:$0x1] =	stream.indirect_vreg.gather [hbm4b:s21+s3], $0x80, v21, vm0, $0xb8;
	[tilespmem:$0x1E180] =	vst v63  }
0x2f: {  	s5 =	simm.s32 $0x1000  }
0x30: {  	[tilespmem:s5], [sflag:$0x1] =	stream.indirect_vreg.gather [hbm4b:s23+s3], $0x80, v21, vm0, $0xb8;
	[tilespmem:$0x1E180] =	vst v63  }
0x31: {  	s17 =	simm.s32 $0x1800  }
0x32: {  	[tilespmem:s17], [sflag:$0x1] =	stream.indirect_vreg.gather [hbm4b:s10+s3], $0x80, v22, vm0, $0xb8;
	[tilespmem:$0x1E180] =	vst v63  }
0x33: {  	s16 =	simm.s32 $0x2000  }
0x34: {  	[tilespmem:s16], [sflag:$0x1] =	stream.indirect_vreg.gather [hbm4b:s21+s3], $0x80, v22, vm0, $0xb8;
	[tilespmem:$0x1E180] =	vst v63  }
0x35: {  	s18 =	simm.s32 $0x2800  }
0x36: {  	[tilespmem:s18], [sflag:$0x1] =	stream.indirect_vreg.gather [hbm4b:s23+s3], $0x80, v22, vm0, $0xb8;
	[tilespmem:$0x1E180] =	vst v63  }
0x37: {  	v27 =	vld [tilespmem:$0x1E010];
	_ =	sdelay $0x4  }
0x38: {  	v28 =	vshrl.u32 v27, $0x3  }
0x39: {  	v28 =	vmul.u32 $0x30, v28  }
0x3a: {  	v27 =	vand.u32 $0x7, v27  }
0x3b: {  	v27 =	vor.u32 v27, v28  }
0x3c: {  	v28 =	vperm.xlane v27, v15;
	_ =	sdelay $0x1  }
0x3d: {  	v28 =	vadd.s32 v16, v28;
	_ =	sdelay $0x3  }
0x3e: {  	s19 =	simm.s32 $0x3000;
	v27 =	vperm.xlane v27, v17  }
0x3f: {  	[tilespmem:s19], [sflag:$0x1] =	stream.indirect_vreg.gather [hbm4b:s10+s3], $0x80, v28, vm0, $0xb8;
	[tilespmem:$0x1E180] =	vst v63  }
0x40: {  	s11 =	simm.s32 $0x3800;
	v27 =	vadd.s32 v16, v27  }
0x41: {  	[tilespmem:s11], [sflag:$0x1] =	stream.indirect_vreg.gather [hbm4b:s21+s3], $0x80, v28, vm0, $0xb8;
	[tilespmem:$0x1E180] =	vst v63  }
0x42: {  	s12 =	simm.s32 $0x4000  }
0x43: {  	[tilespmem:s12], [sflag:$0x1] =	stream.indirect_vreg.gather [hbm4b:s23+s3], $0x80, v28, vm0, $0xb8;
	[tilespmem:$0x1E180] =	vst v63  }
0x44: {  	s13 =	simm.s32 $0x4800  }
0x45: {  	[tilespmem:s13], [sflag:$0x1] =	stream.indirect_vreg.gather [hbm4b:s10+s3], $0x80, v27, vm0, $0xb8;
	[tilespmem:$0x1E180] =	vst v63  }
0x46: {  	s14 =	simm.s32 $0x5000  }
0x47: {  	[tilespmem:s14], [sflag:$0x1] =	stream.indirect_vreg.gather [hbm4b:s21+s3], $0x80, v27, vm0, $0xb8;
	[tilespmem:$0x1E180] =	vst v63  }
0x48: {  	s20 =	simm.s32 $0x5800  }
0x49: {  	[tilespmem:s20], [sflag:$0x1] =	stream.indirect_vreg.gather [hbm4b:s23+s3], $0x80, v27, vm0, $0xb8;
	[tilespmem:$0x1E180] =	vst v63  }
0x4a: {  	v27 =	vld [tilespmem:$0x1E020];
	_ =	sdelay $0x4  }
0x4b: {  	v49 =	vshrl.u32 v27, $0x3  }
0x4c: {  	v28 =	vmul.u32 $0x30, v49  }
0x4d: {  	v27 =	vand.u32 $0x7, v27  }
0x4e: {  	v27 =	vor.u32 v27, v28  }
0x4f: {  	v28 =	vperm.xlane v27, v15;
	_ =	sdelay $0x1  }
0x50: {  	v28 =	vadd.s32 v16, v28;
	_ =	sdelay $0x3  }
0x51: {  	s26 =	simm.s32 $0x6000;
	v27 =	vperm.xlane v27, v17  }
0x52: {  	[tilespmem:s26], [sflag:$0x1] =	stream.indirect_vreg.gather [hbm4b:s10+s3], $0x80, v28, vm0, $0xb8;
	[tilespmem:$0x1E180] =	vst v63  }
0x53: {  	s28 =	simm.s32 $0x6800;
	v27 =	vadd.s32 v16, v27  }
0x54: {  	[tilespmem:s28], [sflag:$0x1] =	stream.indirect_vreg.gather [hbm4b:s21+s3], $0x80, v28, vm0, $0xb8;
	[tilespmem:$0x1E180] =	vst v63  }
0x55: {  	s22 =	simm.s32 $0x7000  }
0x56: {  	[tilespmem:s22], [sflag:$0x1] =	stream.indirect_vreg.gather [hbm4b:s23+s3], $0x80, v28, vm0, $0xb8;
	[tilespmem:$0x1E180] =	vst v63  }
0x57: {  	s29 =	simm.s32 $0x7800  }
0x58: {  	[tilespmem:s29], [sflag:$0x1] =	stream.indirect_vreg.gather [hbm4b:s10+s3], $0x80, v27, vm0, $0xb8;
	[tilespmem:$0x1E180] =	vst v63  }
0x59: {  	s30 =	simm.s32 $0x8000  }
0x5a: {  	[tilespmem:s30], [sflag:$0x1] =	stream.indirect_vreg.gather [hbm4b:s21+s3], $0x80, v27, vm0, $0xb8;
	[tilespmem:$0x1E180] =	vst v63  }
0x5b: {  	s1 =	simm.s32 $0x8800  }
0x5c: {  	[tilespmem:s1], [sflag:$0x1] =	stream.indirect_vreg.gather [hbm4b:s23+s3], $0x80, v27, vm0, $0xb8;
	[tilespmem:$0x1E180] =	vst v63  }
0x5d: {  	v27 =	vld [tilespmem:$0x1E030];
	_ =	sdelay $0x4  }
0x5e: {  	v50 =	vshrl.u32 v27, $0x3  }
0x5f: {  	v28 =	vmul.u32 $0x30, v50  }
0x60: {  	v27 =	vand.u32 $0x7, v27  }
0x61: {  	v27 =	vor.u32 v27, v28  }
0x62: {  	v28 =	vperm.xlane v27, v15;
	_ =	sdelay $0x1  }
0x63: {  	v28 =	vadd.s32 v16, v28;
	_ =	sdelay $0x3  }
0x64: {  	s0 =	simm.s32 $0x9000;
	v27 =	vperm.xlane v27, v17  }
0x65: {  	[tilespmem:s0], [sflag:$0x1] =	stream.indirect_vreg.gather [hbm4b:s10+s3], $0x80, v28, vm0, $0xb8;
	[tilespmem:$0x1E180] =	vst v63  }
0x66: {  	s2 =	simm.s32 $0x9800;
	v27 =	vadd.s32 v16, v27  }
0x67: {  	[tilespmem:s2], [sflag:$0x1] =	stream.indirect_vreg.gather [hbm4b:s21+s3], $0x80, v28, vm0, $0xb8;
	[tilespmem:$0x1E180] =	vst v63  }
0x68: {  	s7 =	simm.s32 $0xA000  }
0x69: {  	[tilespmem:s7], [sflag:$0x1] =	stream.indirect_vreg.gather [hbm4b:s23+s3], $0x80, v28, vm0, $0xb8;
	[tilespmem:$0x1E180] =	vst v63  }
0x6a: {  	s8 =	simm.s32 $0xA800  }
0x6b: {  	[tilespmem:s8], [sflag:$0x1] =	stream.indirect_vreg.gather [hbm4b:s10+s3], $0x80, v27, vm0, $0xb8;
	[tilespmem:$0x1E180] =	vst v63  }
0x6c: {  	s25 =	simm.s32 $0xB000  }
0x6d: {  	[tilespmem:s25], [sflag:$0x1] =	stream.indirect_vreg.gather [hbm4b:s21+s3], $0x80, v27, vm0, $0xb8;
	[tilespmem:$0x1E180] =	vst v63  }
0x6e: {  	s4 =	simm.s32 $0xB800  }
0x6f: {  	[tilespmem:s4], [sflag:$0x1] =	stream.indirect_vreg.gather [hbm4b:s23+s3], $0x80, v27, vm0, $0xb8;
	[tilespmem:$0x1E180] =	vst v63  }
0x70: {  	v27 =	vld [tilespmem:$0x1E040];
	_ =	sdelay $0x4  }
0x71: {  	v51 =	vshrl.u32 v27, $0x3  }
0x72: {  	v28 =	vmul.u32 $0x30, v51  }
0x73: {  	v27 =	vand.u32 $0x7, v27  }
0x74: {  	v27 =	vor.u32 v27, v28  }
0x75: {  	v28 =	vperm.xlane v27, v15;
	_ =	sdelay $0x1  }
0x76: {  	v28 =	vadd.s32 v16, v28;
	_ =	sdelay $0x3  }
0x77: {  	s31 =	simm.s32 $0xF000;
	v27 =	vperm.xlane v27, v17  }
0x78: {  	[tilespmem:s31], [sflag:$0x2] =	stream.indirect_vreg.gather [hbm4b:s10+s3], $0x80, v28, vm0, $0xb8;
	[tilespmem:$0x1E180] =	vst v63  }
0x79: {  	s9 =	simm.s32 $0xF800;
	v27 =	vadd.s32 v16, v27  }
0x7a: {  	[tilespmem:s9], [sflag:$0x2] =	stream.indirect_vreg.gather [hbm4b:s21+s3], $0x80, v28, vm0, $0xb8;
	[tilespmem:$0x1E180] =	vst v63  }
0x7b: {  	s9 =	simm.s32 $0x10000  }
0x7c: {  	[tilespmem:s9], [sflag:$0x2] =	stream.indirect_vreg.gather [hbm4b:s23+s3], $0x80, v28, vm0, $0xb8;
	[tilespmem:$0x1E180] =	vst v63  }
0x7d: {  	s9 =	simm.s32 $0x10800  }
0x7e: {  	[tilespmem:s9], [sflag:$0x2] =	stream.indirect_vreg.gather [hbm4b:s10+s3], $0x80, v27, vm0, $0xb8;
	[tilespmem:$0x1E180] =	vst v63  }
0x7f: {  	s9 =	simm.s32 $0x11000  }
0x80: {  	[tilespmem:s9], [sflag:$0x2] =	stream.indirect_vreg.gather [hbm4b:s21+s3], $0x80, v27, vm0, $0xb8;
	[tilespmem:$0x1E180] =	vst v63  }
0x81: {  	s9 =	simm.s32 $0x11800  }
0x82: {  	[tilespmem:s9], [sflag:$0x2] =	stream.indirect_vreg.gather [hbm4b:s23+s3], $0x80, v27, vm0, $0xb8;
	[tilespmem:$0x1E180] =	vst v63  }
0x83: {  	v27 =	vld [tilespmem:$0x1E050];
	_ =	sdelay $0x4  }
0x84: {  	v52 =	vshrl.u32 v27, $0x3  }
0x85: {  	v28 =	vmul.u32 $0x30, v52  }
0x86: {  	v27 =	vand.u32 $0x7, v27  }
0x87: {  	v27 =	vor.u32 v27, v28  }
0x88: {  	v28 =	vperm.xlane v27, v15;
	_ =	sdelay $0x1  }
0x89: {  	v28 =	vadd.s32 v16, v28;
	_ =	sdelay $0x3  }
0x8a: {  	s9 =	simm.s32 $0x12000;
	v27 =	vperm.xlane v27, v17  }
0x8b: {  	[tilespmem:s9], [sflag:$0x2] =	stream.indirect_vreg.gather [hbm4b:s10+s3], $0x80, v28, vm0, $0xb8;
	[tilespmem:$0x1E180] =	vst v63  }
0x8c: {  	v27 =	vadd.s32 v16, v27;
	s9 =	simm.s32 $0x12800  }
0x8d: {  	[tilespmem:s9], [sflag:$0x2] =	stream.indirect_vreg.gather [hbm4b:s21+s3], $0x80, v28, vm0, $0xb8;
	[tilespmem:$0x1E180] =	vst v63  }
0x8e: {  	s9 =	simm.s32 $0x13000  }
0x8f: {  	[tilespmem:s9], [sflag:$0x2] =	stream.indirect_vreg.gather [hbm4b:s23+s3], $0x80, v28, vm0, $0xb8;
	[tilespmem:$0x1E180] =	vst v63  }
0x90: {  	s9 =	simm.s32 $0x13800  }
0x91: {  	[tilespmem:s9], [sflag:$0x2] =	stream.indirect_vreg.gather [hbm4b:s10+s3], $0x80, v27, vm0, $0xb8;
	[tilespmem:$0x1E180] =	vst v63  }
0x92: {  	s9 =	simm.s32 $0x14000  }
0x93: {  	[tilespmem:s9], [sflag:$0x2] =	stream.indirect_vreg.gather [hbm4b:s21+s3], $0x80, v27, vm0, $0xb8;
	[tilespmem:$0x1E180] =	vst v63  }
0x94: {  	s9 =	simm.s32 $0x14800  }
0x95: {  	[tilespmem:s9], [sflag:$0x2] =	stream.indirect_vreg.gather [hbm4b:s23+s3], $0x80, v27, vm0, $0xb8;
	[tilespmem:$0x1E180] =	vst v63  }
0x96: {  	v27 =	vld [tilespmem:$0x1E060];
	_ =	sdelay $0x4  }
0x97: {  	v53 =	vshrl.u32 v27, $0x3  }
0x98: {  	v28 =	vmul.u32 $0x30, v53  }
0x99: {  	v27 =	vand.u32 $0x7, v27  }
0x9a: {  	v27 =	vor.u32 v27, v28  }
0x9b: {  	v28 =	vperm.xlane v27, v15;
	_ =	sdelay $0x1  }
0x9c: {  	v28 =	vadd.s32 v16, v28;
	_ =	sdelay $0x3  }
0x9d: {  	s9 =	simm.s32 $0x15000;
	v27 =	vperm.xlane v27, v17  }
0x9e: {  	[tilespmem:s9], [sflag:$0x2] =	stream.indirect_vreg.gather [hbm4b:s10+s3], $0x80, v28, vm0, $0xb8;
	[tilespmem:$0x1E180] =	vst v63  }
0x9f: {  	v27 =	vadd.s32 v16, v27;
	s9 =	simm.s32 $0x15800  }
0xa0: {  	[tilespmem:s9], [sflag:$0x2] =	stream.indirect_vreg.gather [hbm4b:s21+s3], $0x80, v28, vm0, $0xb8;
	[tilespmem:$0x1E180] =	vst v63  }
0xa1: {  	s9 =	simm.s32 $0x16000  }
0xa2: {  	[tilespmem:s9], [sflag:$0x2] =	stream.indirect_vreg.gather [hbm4b:s23+s3], $0x80, v28, vm0, $0xb8;
	[tilespmem:$0x1E180] =	vst v63  }
0xa3: {  	s9 =	simm.s32 $0x16800  }
0xa4: {  	[tilespmem:s9], [sflag:$0x2] =	stream.indirect_vreg.gather [hbm4b:s10+s3], $0x80, v27, vm0, $0xb8;
	[tilespmem:$0x1E180] =	vst v63  }
0xa5: {  	s9 =	simm.s32 $0x17000  }
0xa6: {  	[tilespmem:s9], [sflag:$0x2] =	stream.indirect_vreg.gather [hbm4b:s21+s3], $0x80, v27, vm0, $0xb8;
	[tilespmem:$0x1E180] =	vst v63  }
0xa7: {  	s9 =	simm.s32 $0x17800  }
0xa8: {  	[tilespmem:s9], [sflag:$0x2] =	stream.indirect_vreg.gather [hbm4b:s23+s3], $0x80, v27, vm0, $0xb8;
	[tilespmem:$0x1E180] =	vst v63  }
0xa9: {  	v27 =	vld [tilespmem:$0x1E070];
	_ =	sdelay $0x4  }
0xaa: {  	v54 =	vshrl.u32 v27, $0x3  }
0xab: {  	v28 =	vmul.u32 $0x30, v54  }
0xac: {  	v27 =	vand.u32 $0x7, v27  }
0xad: {  	v27 =	vor.u32 v27, v28  }
0xae: {  	v28 =	vperm.xlane v27, v15;
	_ =	sdelay $0x1  }
0xaf: {  	v28 =	vadd.s32 v16, v28;
	_ =	sdelay $0x3  }
0xb0: {  	s9 =	simm.s32 $0x18000;
	v27 =	vperm.xlane v27, v17  }
0xb1: {  	[tilespmem:s9], [sflag:$0x2] =	stream.indirect_vreg.gather [hbm4b:s10+s3], $0x80, v28, vm0, $0xb8;
	[tilespmem:$0x1E180] =	vst v63  }
0xb2: {  	v27 =	vadd.s32 v16, v27;
	s9 =	simm.s32 $0x18800  }
0xb3: {  	[tilespmem:s9], [sflag:$0x2] =	stream.indirect_vreg.gather [hbm4b:s21+s3], $0x80, v28, vm0, $0xb8;
	[tilespmem:$0x1E180] =	vst v63  }
0xb4: {  	s9 =	simm.s32 $0x19000  }
0xb5: {  	[tilespmem:s9], [sflag:$0x2] =	stream.indirect_vreg.gather [hbm4b:s23+s3], $0x80, v28, vm0, $0xb8;
	[tilespmem:$0x1E180] =	vst v63  }
0xb6: {  	s9 =	simm.s32 $0x19800  }
0xb7: {  	[tilespmem:s9], [sflag:$0x2] =	stream.indirect_vreg.gather [hbm4b:s10+s3], $0x80, v27, vm0, $0xb8;
	[tilespmem:$0x1E180] =	vst v63  }
0xb8: {  	s9 =	simm.s32 $0x1A000  }
0xb9: {  	[tilespmem:s9], [sflag:$0x2] =	stream.indirect_vreg.gather [hbm4b:s21+s3], $0x80, v27, vm0, $0xb8;
	[tilespmem:$0x1E180] =	vst v63  }
0xba: {  	s9 =	simm.s32 $0x1A800  }
0xbb: {  	[tilespmem:s9], [sflag:$0x2] =	stream.indirect_vreg.gather [hbm4b:s23+s3], $0x80, v27, vm0, $0xb8;
	[tilespmem:$0x1E180] =	vst v63  }
0xbc: {  	s9 =	simm.s32 $0x1  }
0xbd: {  	_ =	swait.ge [sflag:s9], $0xC000  }
0xbe: {  	[sflag:s9] =	ssyncset.done $0x0  }
0xbf: {  	[sflag:s9] =	ssyncadd.s32 $0xFFFF4000;
	s9 =	rddreg [dreg:$0x7]  }
0xc0: {  	[hbm4b:s9+s3] =	stream.linear.scatter [tilespmem:s3], [sflag:$0x5], $0xC000, $0x38;
	[tilespmem:$0x1E180] =	vst v63  }
0xc1: {  	s9 =	simm.s32 $0x2  }
0xc2: {  	_ =	swait.ge [sflag:s9], $0xC000  }
0xc3: {  	[sflag:s9] =	ssyncset.done $0x0  }
0xc4: {  	[sflag:s9] =	ssyncadd.s32 $0xFFFF4000;
	s9 =	rddreg [dreg:$0x8]  }
0xc5: {  	[hbm4b:s9+s3] =	stream.linear.scatter [tilespmem:s31], [sflag:$0x6], $0xC000, $0x38;
	[tilespmem:$0x1E180] =	vst v63  }
0xc6: {  	s9 =	simm.s32 $0x5  }
0xc7: {  	_ =	swait.ge [sflag:s9], $0xC000  }
0xc8: {  	[sflag:s9] =	ssyncset.done $0x0  }
0xc9: {  	[sflag:s9] =	ssyncadd.s32 $0xFFFF4000  }
0xca: {  	v27 =	vld [tilespmem:$0x1E080];
	_ =	sdelay $0x4  }
0xcb: {  	v55 =	vshrl.u32 v27, $0x3  }
0xcc: {  	v28 =	vmul.u32 $0x30, v55  }
0xcd: {  	v27 =	vand.u32 $0x7, v27  }
0xce: {  	v27 =	vor.u32 v27, v28  }
0xcf: {  	v28 =	vperm.xlane v27, v15;
	_ =	sdelay $0x1  }
0xd0: {  	v28 =	vadd.s32 v16, v28;
	_ =	sdelay $0x3  }
0xd1: {  	v27 =	vperm.xlane v27, v17  }
0xd2: {  	[tilespmem:s3], [sflag:$0x3] =	stream.indirect_vreg.gather [hbm4b:s10+s3], $0x80, v28, vm0, $0xb8;
	[tilespmem:$0x1E180] =	vst v63  }
0xd3: {  	v27 =	vadd.s32 v16, v27  }
0xd4: {  	[tilespmem:s24], [sflag:$0x3] =	stream.indirect_vreg.gather [hbm4b:s21+s3], $0x80, v28, vm0, $0xb8;
	[tilespmem:$0x1E180] =	vst v63  }
0xd5: {  	_ = 	snop  }
0xd6: {  	[tilespmem:s5], [sflag:$0x3] =	stream.indirect_vreg.gather [hbm4b:s23+s3], $0x80, v28, vm0, $0xb8;
	[tilespmem:$0x1E180] =	vst v63  }
0xd7: {  	_ = 	snop  }
0xd8: {  	[tilespmem:s17], [sflag:$0x3] =	stream.indirect_vreg.gather [hbm4b:s10+s3], $0x80, v27, vm0, $0xb8;
	[tilespmem:$0x1E180] =	vst v63  }
0xd9: {  	_ = 	snop  }
0xda: {  	[tilespmem:s16], [sflag:$0x3] =	stream.indirect_vreg.gather [hbm4b:s21+s3], $0x80, v27, vm0, $0xb8;
	[tilespmem:$0x1E180] =	vst v63  }
0xdb: {  	_ = 	snop  }
0xdc: {  	[tilespmem:s18], [sflag:$0x3] =	stream.indirect_vreg.gather [hbm4b:s23+s3], $0x80, v27, vm0, $0xb8;
	[tilespmem:$0x1E180] =	vst v63  }
0xdd: {  	v27 =	vld [tilespmem:$0x1E090];
	_ =	sdelay $0x4  }
0xde: {  	v56 =	vshrl.u32 v27, $0x3  }
0xdf: {  	v28 =	vmul.u32 $0x30, v56  }
0xe0: {  	v27 =	vand.u32 $0x7, v27  }
0xe1: {  	v27 =	vor.u32 v27, v28  }
0xe2: {  	v28 =	vperm.xlane v27, v15;
	_ =	sdelay $0x1  }
0xe3: {  	v28 =	vadd.s32 v16, v28;
	_ =	sdelay $0x3  }
0xe4: {  	v27 =	vperm.xlane v27, v17  }
0xe5: {  	[tilespmem:s19], [sflag:$0x3] =	stream.indirect_vreg.gather [hbm4b:s10+s3], $0x80, v28, vm0, $0xb8;
	[tilespmem:$0x1E180] =	vst v63  }
0xe6: {  	v27 =	vadd.s32 v16, v27  }
0xe7: {  	[tilespmem:s11], [sflag:$0x3] =	stream.indirect_vreg.gather [hbm4b:s21+s3], $0x80, v28, vm0, $0xb8;
	[tilespmem:$0x1E180] =	vst v63  }
0xe8: {  	_ = 	snop  }
0xe9: {  	[tilespmem:s12], [sflag:$0x3] =	stream.indirect_vreg.gather [hbm4b:s23+s3], $0x80, v28, vm0, $0xb8;
	[tilespmem:$0x1E180] =	vst v63  }
0xea: {  	_ = 	snop  }
0xeb: {  	[tilespmem:s13], [sflag:$0x3] =	stream.indirect_vreg.gather [hbm4b:s10+s3], $0x80, v27, vm0, $0xb8;
	[tilespmem:$0x1E180] =	vst v63  }
0xec: {  	_ = 	snop  }
0xed: {  	[tilespmem:s14], [sflag:$0x3] =	stream.indirect_vreg.gather [hbm4b:s21+s3], $0x80, v27, vm0, $0xb8;
	[tilespmem:$0x1E180] =	vst v63  }
0xee: {  	_ = 	snop  }
0xef: {  	[tilespmem:s20], [sflag:$0x3] =	stream.indirect_vreg.gather [hbm4b:s23+s3], $0x80, v27, vm0, $0xb8;
	[tilespmem:$0x1E180] =	vst v63  }
0xf0: {  	v27 =	vld [tilespmem:$0x1E0A0];
	_ =	sdelay $0x4  }
0xf1: {  	v57 =	vshrl.u32 v27, $0x3  }
0xf2: {  	v28 =	vmul.u32 $0x30, v57  }
0xf3: {  	v27 =	vand.u32 $0x7, v27  }
0xf4: {  	v27 =	vor.u32 v27, v28  }
0xf5: {  	v28 =	vperm.xlane v27, v15;
	_ =	sdelay $0x1  }
0xf6: {  	v28 =	vadd.s32 v16, v28;
	_ =	sdelay $0x3  }
0xf7: {  	v27 =	vperm.xlane v27, v17  }
0xf8: {  	[tilespmem:s26], [sflag:$0x3] =	stream.indirect_vreg.gather [hbm4b:s10+s3], $0x80, v28, vm0, $0xb8;
	[tilespmem:$0x1E180] =	vst v63  }
0xf9: {  	v27 =	vadd.s32 v16, v27  }
0xfa: {  	[tilespmem:s28], [sflag:$0x3] =	stream.indirect_vreg.gather [hbm4b:s21+s3], $0x80, v28, vm0, $0xb8;
	[tilespmem:$0x1E180] =	vst v63  }
0xfb: {  	_ = 	snop  }
0xfc: {  	[tilespmem:s22], [sflag:$0x3] =	stream.indirect_vreg.gather [hbm4b:s23+s3], $0x80, v28, vm0, $0xb8;
	[tilespmem:$0x1E180] =	vst v63  }
0xfd: {  	_ = 	snop  }
0xfe: {  	[tilespmem:s29], [sflag:$0x3] =	stream.indirect_vreg.gather [hbm4b:s10+s3], $0x80, v27, vm0, $0xb8;
	[tilespmem:$0x1E180] =	vst v63  }
0xff: {  	_ = 	snop  }
0x100: {  	[tilespmem:s30], [sflag:$0x3] =	stream.indirect_vreg.gather [hbm4b:s21+s3], $0x80, v27, vm0, $0xb8;
	[tilespmem:$0x1E180] =	vst v63  }
0x101: {  	_ = 	snop  }
0x102: {  	[tilespmem:s1], [sflag:$0x3] =	stream.indirect_vreg.gather [hbm4b:s23+s3], $0x80, v27, vm0, $0xb8;
	[tilespmem:$0x1E180] =	vst v63  }
0x103: {  	v27 =	vld [tilespmem:$0x1E0B0];
	_ =	sdelay $0x4  }
0x104: {  	v58 =	vshrl.u32 v27, $0x3  }
0x105: {  	v28 =	vmul.u32 $0x30, v58  }
0x106: {  	v27 =	vand.u32 $0x7, v27  }
0x107: {  	v27 =	vor.u32 v27, v28  }
0x108: {  	v28 =	vperm.xlane v27, v15;
	_ =	sdelay $0x1  }
0x109: {  	v28 =	vadd.s32 v16, v28;
	_ =	sdelay $0x3  }
0x10a: {  	v27 =	vperm.xlane v27, v17  }
0x10b: {  	[tilespmem:s0], [sflag:$0x3] =	stream.indirect_vreg.gather [hbm4b:s10+s3], $0x80, v28, vm0, $0xb8;
	[tilespmem:$0x1E180] =	vst v63  }
0x10c: {  	v27 =	vadd.s32 v16, v27  }
0x10d: {  	[tilespmem:s2], [sflag:$0x3] =	stream.indirect_vreg.gather [hbm4b:s21+s3], $0x80, v28, vm0, $0xb8;
	[tilespmem:$0x1E180] =	vst v63  }
0x10e: {  	_ = 	snop  }
0x10f: {  	[tilespmem:s7], [sflag:$0x3] =	stream.indirect_vreg.gather [hbm4b:s23+s3], $0x80, v28, vm0, $0xb8;
	[tilespmem:$0x1E180] =	vst v63  }
0x110: {  	_ = 	snop  }
0x111: {  	[tilespmem:s8], [sflag:$0x3] =	stream.indirect_vreg.gather [hbm4b:s10+s3], $0x80, v27, vm0, $0xb8;
	[tilespmem:$0x1E180] =	vst v63  }
0x112: {  	_ = 	snop  }
0x113: {  	[tilespmem:s25], [sflag:$0x3] =	stream.indirect_vreg.gather [hbm4b:s21+s3], $0x80, v27, vm0, $0xb8;
	[tilespmem:$0x1E180] =	vst v63  }
0x114: {  	s11 =	simm.s32 $0x6  }
0x115: {  	[tilespmem:s4], [sflag:$0x3] =	stream.indirect_vreg.gather [hbm4b:s23+s3], $0x80, v27, vm0, $0xb8;
	[tilespmem:$0x1E180] =	vst v63  }
0x116: {  	_ =	swait.ge [sflag:s11], $0xC000  }
0x117: {  	[sflag:s11] =	ssyncset.done $0x0  }
0x118: {  	[sflag:s11] =	ssyncadd.s32 $0xFFFF4000  }
0x119: {  	v27 =	vld [tilespmem:$0x1E0C0];
	_ =	sdelay $0x4  }
0x11a: {  	v59 =	vshrl.u32 v27, $0x3  }
0x11b: {  	v28 =	vmul.u32 $0x30, v59  }
0x11c: {  	v27 =	vand.u32 $0x7, v27  }
0x11d: {  	v27 =	vor.u32 v27, v28  }
0x11e: {  	v28 =	vperm.xlane v27, v15;
	_ =	sdelay $0x1  }
0x11f: {  	v28 =	vadd.s32 v16, v28;
	_ =	sdelay $0x3  }
0x120: {  	v27 =	vperm.xlane v27, v17  }
0x121: {  	[tilespmem:s31], [sflag:$0x4] =	stream.indirect_vreg.gather [hbm4b:s10+s3], $0x80, v28, vm0, $0xb8;
	[tilespmem:$0x1E180] =	vst v63  }
0x122: {  	s12 =	simm.s32 $0xF800;
	v27 =	vadd.s32 v16, v27  }
0x123: {  	[tilespmem:s12], [sflag:$0x4] =	stream.indirect_vreg.gather [hbm4b:s21+s3], $0x80, v28, vm0, $0xb8;
	[tilespmem:$0x1E180] =	vst v63  }
0x124: {  	s13 =	simm.s32 $0x10000  }
0x125: {  	[tilespmem:s13], [sflag:$0x4] =	stream.indirect_vreg.gather [hbm4b:s23+s3], $0x80, v28, vm0, $0xb8;
	[tilespmem:$0x1E180] =	vst v63  }
0x126: {  	s14 =	simm.s32 $0x10800  }
0x127: {  	[tilespmem:s14], [sflag:$0x4] =	stream.indirect_vreg.gather [hbm4b:s10+s3], $0x80, v27, vm0, $0xb8;
	[tilespmem:$0x1E180] =	vst v63  }
0x128: {  	s16 =	simm.s32 $0x11000  }
0x129: {  	[tilespmem:s16], [sflag:$0x4] =	stream.indirect_vreg.gather [hbm4b:s21+s3], $0x80, v27, vm0, $0xb8;
	[tilespmem:$0x1E180] =	vst v63  }
0x12a: {  	s17 =	simm.s32 $0x11800  }
0x12b: {  	[tilespmem:s17], [sflag:$0x4] =	stream.indirect_vreg.gather [hbm4b:s23+s3], $0x80, v27, vm0, $0xb8;
	[tilespmem:$0x1E180] =	vst v63  }
0x12c: {  	v27 =	vld [tilespmem:$0x1E0D0];
	_ =	sdelay $0x4  }
0x12d: {  	v60 =	vshrl.u32 v27, $0x3  }
0x12e: {  	v28 =	vmul.u32 $0x30, v60  }
0x12f: {  	v27 =	vand.u32 $0x7, v27  }
0x130: {  	v27 =	vor.u32 v27, v28  }
0x131: {  	v28 =	vperm.xlane v27, v15;
	_ =	sdelay $0x1  }
0x132: {  	v28 =	vadd.s32 v16, v28;
	_ =	sdelay $0x3  }
0x133: {  	s18 =	simm.s32 $0x12000;
	v27 =	vperm.xlane v27, v17  }
0x134: {  	[tilespmem:s18], [sflag:$0x4] =	stream.indirect_vreg.gather [hbm4b:s10+s3], $0x80, v28, vm0, $0xb8;
	[tilespmem:$0x1E180] =	vst v63  }
0x135: {  	s19 =	simm.s32 $0x12800;
	v27 =	vadd.s32 v16, v27  }
0x136: {  	[tilespmem:s19], [sflag:$0x4] =	stream.indirect_vreg.gather [hbm4b:s21+s3], $0x80, v28, vm0, $0xb8;
	[tilespmem:$0x1E180] =	vst v63  }
0x137: {  	s20 =	simm.s32 $0x13000  }
0x138: {  	[tilespmem:s20], [sflag:$0x4] =	stream.indirect_vreg.gather [hbm4b:s23+s3], $0x80, v28, vm0, $0xb8;
	[tilespmem:$0x1E180] =	vst v63  }
0x139: {  	s22 =	simm.s32 $0x13800  }
0x13a: {  	[tilespmem:s22], [sflag:$0x4] =	stream.indirect_vreg.gather [hbm4b:s10+s3], $0x80, v27, vm0, $0xb8;
	[tilespmem:$0x1E180] =	vst v63  }
0x13b: {  	s24 =	simm.s32 $0x14000  }
0x13c: {  	[tilespmem:s24], [sflag:$0x4] =	stream.indirect_vreg.gather [hbm4b:s21+s3], $0x80, v27, vm0, $0xb8;
	[tilespmem:$0x1E180] =	vst v63  }
0x13d: {  	s25 =	simm.s32 $0x14800  }
0x13e: {  	[tilespmem:s25], [sflag:$0x4] =	stream.indirect_vreg.gather [hbm4b:s23+s3], $0x80, v27, vm0, $0xb8;
	[tilespmem:$0x1E180] =	vst v63  }
0x13f: {  	v27 =	vld [tilespmem:$0x1E0E0];
	_ =	sdelay $0x4  }
0x140: {  	v61 =	vshrl.u32 v27, $0x3  }
0x141: {  	v28 =	vmul.u32 $0x30, v61  }
0x142: {  	v27 =	vand.u32 $0x7, v27  }
0x143: {  	v27 =	vor.u32 v27, v28  }
0x144: {  	v28 =	vperm.xlane v27, v15;
	_ =	sdelay $0x1  }
0x145: {  	v28 =	vadd.s32 v16, v28;
	_ =	sdelay $0x3  }
0x146: {  	s26 =	simm.s32 $0x15000;
	v27 =	vperm.xlane v27, v17  }
0x147: {  	[tilespmem:s26], [sflag:$0x4] =	stream.indirect_vreg.gather [hbm4b:s10+s3], $0x80, v28, vm0, $0xb8;
	[tilespmem:$0x1E180] =	vst v63  }
0x148: {  	s28 =	simm.s32 $0x15800;
	v27 =	vadd.s32 v16, v27  }
0x149: {  	[tilespmem:s28], [sflag:$0x4] =	stream.indirect_vreg.gather [hbm4b:s21+s3], $0x80, v28, vm0, $0xb8;
	[tilespmem:$0x1E180] =	vst v63  }
0x14a: {  	s29 =	simm.s32 $0x16000  }
0x14b: {  	[tilespmem:s29], [sflag:$0x4] =	stream.indirect_vreg.gather [hbm4b:s23+s3], $0x80, v28, vm0, $0xb8;
	[tilespmem:$0x1E180] =	vst v63  }
0x14c: {  	s30 =	simm.s32 $0x16800  }
0x14d: {  	[tilespmem:s30], [sflag:$0x4] =	stream.indirect_vreg.gather [hbm4b:s10+s3], $0x80, v27, vm0, $0xb8;
	[tilespmem:$0x1E180] =	vst v63  }
0x14e: {  	s1 =	simm.s32 $0x17000  }
0x14f: {  	[tilespmem:s1], [sflag:$0x4] =	stream.indirect_vreg.gather [hbm4b:s21+s3], $0x80, v27, vm0, $0xb8;
	[tilespmem:$0x1E180] =	vst v63  }
0x150: {  	s2 =	simm.s32 $0x17800  }
0x151: {  	[tilespmem:s2], [sflag:$0x4] =	stream.indirect_vreg.gather [hbm4b:s23+s3], $0x80, v27, vm0, $0xb8;
	[tilespmem:$0x1E180] =	vst v63  }
0x152: {  	v27 =	vld [tilespmem:$0x1E0F0];
	_ =	sdelay $0x4  }
0x153: {  	v62 =	vshrl.u32 v27, $0x3  }
0x154: {  	v28 =	vmul.u32 $0x30, v62  }
0x155: {  	v27 =	vand.u32 $0x7, v27  }
0x156: {  	v27 =	vor.u32 v27, v28  }
0x157: {  	v28 =	vperm.xlane v27, v15;
	_ =	sdelay $0x1  }
0x158: {  	v28 =	vadd.s32 v16, v28;
	_ =	sdelay $0x3  }
0x159: {  	s4 =	simm.s32 $0x18000;
	v27 =	vperm.xlane v27, v17  }
0x15a: {  	[tilespmem:s4], [sflag:$0x4] =	stream.indirect_vreg.gather [hbm4b:s10+s3], $0x80, v28, vm0, $0xb8;
	[tilespmem:$0x1E180] =	vst v63  }
0x15b: {  	s5 =	simm.s32 $0x18800;
	v27 =	vadd.s32 v16, v27  }
0x15c: {  	[tilespmem:s5], [sflag:$0x4] =	stream.indirect_vreg.gather [hbm4b:s21+s3], $0x80, v28, vm0, $0xb8;
	[tilespmem:$0x1E180] =	vst v63  }
0x15d: {  	s7 =	simm.s32 $0x19000  }
0x15e: {  	[tilespmem:s7], [sflag:$0x4] =	stream.indirect_vreg.gather [hbm4b:s23+s3], $0x80, v28, vm0, $0xb8;
	[tilespmem:$0x1E180] =	vst v63  }
0x15f: {  	s8 =	simm.s32 $0x19800  }
0x160: {  	[tilespmem:s8], [sflag:$0x4] =	stream.indirect_vreg.gather [hbm4b:s10+s3], $0x80, v27, vm0, $0xb8;
	[tilespmem:$0x1E180] =	vst v63  }
0x161: {  	s9 =	simm.s32 $0x1A000  }
0x162: {  	[tilespmem:s9], [sflag:$0x4] =	stream.indirect_vreg.gather [hbm4b:s21+s3], $0x80, v27, vm0, $0xb8;
	[tilespmem:$0x1E180] =	vst v63  }
0x163: {  	s11 =	simm.s32 $0x1A800  }
0x164: {  	[tilespmem:s11], [sflag:$0x4] =	stream.indirect_vreg.gather [hbm4b:s23+s3], $0x80, v27, vm0, $0xb8;
	[tilespmem:$0x1E180] =	vst v63  }
0x165: {  	v27 =	vld [tilespmem:$0x1E100];
	_ =	sdelay $0x4  }
0x166: {  	v63 =	vshrl.u32 v27, $0x3  }
0x167: {  	v28 =	vmul.u32 $0x30, v63  }
0x168: {  	v27 =	vand.u32 $0x7, v27  }
0x169: {  	v27 =	vor.u32 v27, v28  }
0x16a: {  	v28 =	vperm.xlane v27, v15;
	_ =	sdelay $0x1  }
0x16b: {  	v28 =	vadd.s32 v16, v28;
	_ =	sdelay $0x3  }
0x16c: {  	s12 =	simm.s32 $0x1B000;
	v27 =	vperm.xlane v27, v17  }
0x16d: {  	[tilespmem:s12], [sflag:$0x4] =	stream.indirect_vreg.gather [hbm4b:s10+s3], $0x80, v28, vm0, $0xb8;
	[tilespmem:$0x1E180] =	vst v63  }
0x16e: {  	s13 =	simm.s32 $0x1B800;
	v27 =	vadd.s32 v16, v27  }
0x16f: {  	[tilespmem:s13], [sflag:$0x4] =	stream.indirect_vreg.gather [hbm4b:s21+s3], $0x80, v28, vm0, $0xb8;
	[tilespmem:$0x1E180] =	vst v63  }
0x170: {  	s14 =	simm.s32 $0x1C000  }
0x171: {  	[tilespmem:s14], [sflag:$0x4] =	stream.indirect_vreg.gather [hbm4b:s23+s3], $0x80, v28, vm0, $0xb8;
	[tilespmem:$0x1E180] =	vst v63  }
0x172: {  	s16 =	simm.s32 $0x1C800  }
0x173: {  	[tilespmem:s16], [sflag:$0x4] =	stream.indirect_vreg.gather [hbm4b:s10+s3], $0x80, v27, vm0, $0xb8;
	[tilespmem:$0x1E180] =	vst v63  }
0x174: {  	s17 =	simm.s32 $0x1D000  }
0x175: {  	[tilespmem:s17], [sflag:$0x4] =	stream.indirect_vreg.gather [hbm4b:s21+s3], $0x80, v27, vm0, $0xb8;
	[tilespmem:$0x1E180] =	vst v63  }
0x176: {  	s18 =	simm.s32 $0x1D800;
	s19 =	simm.s32 $0x3  }
0x177: {  	[tilespmem:s18], [sflag:$0x4] =	stream.indirect_vreg.gather [hbm4b:s23+s3], $0x80, v27, vm0, $0xb8;
	[tilespmem:$0x1E180] =	vst v63  }
0x178: {  	_ =	swait.ge [sflag:s19], $0xC000  }
0x179: {  	[sflag:s19] =	ssyncset.done $0x0  }
0x17a: {  	s22 =	simm.s32 $0x4;
	s20 =	rddreg [dreg:$0x9];
	[sflag:s19] =	ssyncadd.s32 $0xFFFF4000  }
0x17b: {  	[hbm4b:s20+s3] =	stream.linear.scatter [tilespmem:s3], [sflag:$0x7], $0xC000, $0x38;
	[tilespmem:$0x1E180] =	vst v63  }
0x17c: {  	_ =	swait.ge [sflag:s22], $0xF000  }
0x17d: {  	[sflag:s22] =	ssyncset.done $0x0  }
0x17e: {  	s24 =	rddreg [dreg:$0xa];
	[sflag:s22] =	ssyncadd.s32 $0xFFFF1000  }
0x17f: {  	[hbm4b:s24+s3] =	stream.linear.scatter [tilespmem:s31], [sflag:$0x8], $0xC000, $0x38;
	[tilespmem:$0x1E180] =	vst v63  }
0x180: {  	s25 =	rddreg [dreg:$0x10]  }
0x181: {  	[hbm4b:s25+s3] =	stream.indirect_vreg.scatter [tilespmem:s12], [sflag:$0x9], $0x80, v23, vm0, $0xb8;
	[tilespmem:$0x1E180] =	vst v63  }
0x182: {  	s26 =	sadd.s32 $0x100, s25  }
0x183: {  	[hbm4b:s26+s3] =	stream.indirect_vreg.scatter [tilespmem:s13], [sflag:$0x9], $0x80, v23, vm0, $0xb8;
	[tilespmem:$0x1E180] =	vst v63  }
0x184: {  	s28 =	sadd.s32 $0x200, s25  }
0x185: {  	[hbm4b:s28+s3] =	stream.indirect_vreg.scatter [tilespmem:s14], [sflag:$0x9], $0x80, v23, vm0, $0xb8;
	[tilespmem:$0x1E180] =	vst v63  }
0x186: {  	_ = 	snop  }
0x187: {  	[hbm4b:s25+s3] =	stream.indirect_vreg.scatter [tilespmem:s16], [sflag:$0x9], $0x80, v24, vm0, $0xb8;
	[tilespmem:$0x1E180] =	vst v63  }
0x188: {  	_ = 	snop  }
0x189: {  	[hbm4b:s26+s3] =	stream.indirect_vreg.scatter [tilespmem:s17], [sflag:$0x9], $0x80, v24, vm0, $0xb8;
	[tilespmem:$0x1E180] =	vst v63  }
0x18a: {  	s29 =	simm.s32 $0x7  }
0x18b: {  	[hbm4b:s28+s3] =	stream.indirect_vreg.scatter [tilespmem:s18], [sflag:$0x9], $0x80, v24, vm0, $0xb8;
	[tilespmem:$0x1E180] =	vst v63  }
0x18c: {  	_ =	swait.ge [sflag:s29], $0xC000  }
0x18d: {  	[sflag:s29] =	ssyncset.done $0x0  }
0x18e: {  	s30 =	simm.s32 $0x8;
	[sflag:s29] =	ssyncadd.s32 $0xFFFF4000  }
0x18f: {  	_ =	swait.ge [sflag:s30], $0xC000  }
0x190: {  	[sflag:s30] =	ssyncset.done $0x0  }
0x191: {  	s31 =	simm.s32 $0x9;
	[sflag:s30] =	ssyncadd.s32 $0xFFFF4000  }
0x192: {  	_ =	swait.ge [sflag:s31], $0x3000  }
0x193: {  	[sflag:s31] =	ssyncset.done $0x0  }
0x194: {  	[sflag:s31] =	ssyncadd.s32 $0xFFFFD000  }
.LBB2_4:
0x195: {  	s15 =	sadd.s32 $0xFFFFFFFF, s15  }
0x196: {  	p2 =	sne.s32 s15, $0x0  }
.Ltmp1:
0x197: {  	_ = 	snop;
	(pc) =	sbr.rel @!p2 .LBB2_5-.Ltmp1, $1  }
0x198: {  	_ =	sdelay $0x3  }
.LBB2_1:
.Ltmp2:
0x199: {  	(pc) =	sbr.rel @p0 .LBB2_3-.Ltmp2, $1  }
0x19a: {  	_ =	sdelay $0x3  }
0x19b: {  	[tilespmem:$0x1E000] =	vst v25  }
0x19c: {  	v27 =	vadd.s32 $0xF, v0;
	[tilespmem:$0x1E100] =	vst v1  }
0x19d: {  	[tilespmem:$0x1E010] =	vst v27;
	v27 =	vadd.s32 $0x1F, v0  }
0x19e: {  	[tilespmem:$0x1E020] =	vst v27;
	v27 =	vadd.s32 $0x2F, v0  }
0x19f: {  	[tilespmem:$0x1E030] =	vst v27;
	v27 =	vadd.s32 $0x3F, v0  }
0x1a0: {  	[tilespmem:$0x1E040] =	vst v27;
	v27 =	vadd.s32 $0x4F, v0  }
0x1a1: {  	[tilespmem:$0x1E050] =	vst v27;
	v27 =	vadd.s32 $0x5F, v0  }
0x1a2: {  	[tilespmem:$0x1E060] =	vst v27;
	v27 =	vadd.s32 $0x6F, v0  }
0x1a3: {  	[tilespmem:$0x1E070] =	vst v27;
	v27 =	vadd.s32 $0x7F, v0  }
0x1a4: {  	[tilespmem:$0x1E080] =	vst v27;
	v27 =	vadd.s32 $0x8F, v0  }
0x1a5: {  	v28 =	vperm.xlane v26, v15;
	[tilespmem:$0x1E090] =	vst v27;
	v27 =	vadd.s32 $0x9F, v0  }
0x1a6: {  	[tilespmem:$0x1E0A0] =	vst v27;
	v27 =	vadd.s32 $0xAF, v0  }
0x1a7: {  	v28 =	vadd.s32 v16, v28;
	[tilespmem:$0x1E0B0] =	vst v27;
	v27 =	vadd.s32 $0xBF, v0  }
0x1a8: {  	[tilespmem:$0x1E0C0] =	vst v27;
	v27 =	vadd.s32 $0xCF, v0  }
0x1a9: {  	[tilespmem:$0x1E0D0] =	vst v27;
	v27 =	vadd.s32 $0xDF, v0  }
0x1aa: {  	[tilespmem:$0x1E0E0] =	vst v27;
	v27 =	vadd.s32 $0xEF, v0  }
0x1ab: {  	[tilespmem:$0x1E0F0] =	vst v27;
	v27 =	vperm.xlane v26, v17  }
0x1ac: {  	[tilespmem:s3], [sflag:$0x1] =	stream.indirect_vreg.gather [hbm4b:s6+s3], $0x80, v28, vm0, $0xb8;
	[tilespmem:$0x1E180] =	vst v63  }
0x1ad: {  	s9 =	sadd.s32 $0x100, s6;
	s24 =	simm.s32 $0x800;
	v27 =	vadd.s32 v16, v27  }
0x1ae: {  	[tilespmem:s24], [sflag:$0x1] =	stream.indirect_vreg.gather [hbm4b:s9+s3], $0x80, v28, vm0, $0xb8;
	[tilespmem:$0x1E180] =	vst v63  }
0x1af: {  	s16 =	sadd.s32 $0x200, s6;
	s5 =	simm.s32 $0x1000  }
0x1b0: {  	[tilespmem:s5], [sflag:$0x1] =	stream.indirect_vreg.gather [hbm4b:s16+s3], $0x80, v28, vm0, $0xb8;
	[tilespmem:$0x1E180] =	vst v63  }
0x1b1: {  	s0 =	simm.s32 $0x1800  }
0x1b2: {  	[tilespmem:s0], [sflag:$0x1] =	stream.indirect_vreg.gather [hbm4b:s6+s3], $0x80, v27, vm0, $0xb8;
	[tilespmem:$0x1E180] =	vst v63  }
0x1b3: {  	s18 =	simm.s32 $0x2000  }
0x1b4: {  	[tilespmem:s18], [sflag:$0x1] =	stream.indirect_vreg.gather [hbm4b:s9+s3], $0x80, v27, vm0, $0xb8;
	[tilespmem:$0x1E180] =	vst v63  }
0x1b5: {  	s19 =	simm.s32 $0x2800  }
0x1b6: {  	[tilespmem:s19], [sflag:$0x1] =	stream.indirect_vreg.gather [hbm4b:s16+s3], $0x80, v27, vm0, $0xb8;
	[tilespmem:$0x1E180] =	vst v63  }
0x1b7: {  	v27 =	vld [tilespmem:$0x1E010];
	_ =	sdelay $0x4  }
0x1b8: {  	v49 =	vshrl.u32 v27, $0x3  }
0x1b9: {  	v28 =	vmul.u32 $0x30, v49  }
0x1ba: {  	v27 =	vand.u32 $0x7, v27  }
0x1bb: {  	v27 =	vor.u32 v27, v28  }
0x1bc: {  	v28 =	vperm.xlane v27, v15;
	_ =	sdelay $0x1  }
0x1bd: {  	v28 =	vadd.s32 v16, v28;
	_ =	sdelay $0x3  }
0x1be: {  	s20 =	simm.s32 $0x3000;
	v27 =	vperm.xlane v27, v17  }
0x1bf: {  	[tilespmem:s20], [sflag:$0x1] =	stream.indirect_vreg.gather [hbm4b:s6+s3], $0x80, v28, vm0, $0xb8;
	[tilespmem:$0x1E180] =	vst v63  }
0x1c0: {  	s11 =	simm.s32 $0x3800;
	v27 =	vadd.s32 v16, v27  }
0x1c1: {  	[tilespmem:s11], [sflag:$0x1] =	stream.indirect_vreg.gather [hbm4b:s9+s3], $0x80, v28, vm0, $0xb8;
	[tilespmem:$0x1E180] =	vst v63  }
0x1c2: {  	s12 =	simm.s32 $0x4000  }
0x1c3: {  	[tilespmem:s12], [sflag:$0x1] =	stream.indirect_vreg.gather [hbm4b:s16+s3], $0x80, v28, vm0, $0xb8;
	[tilespmem:$0x1E180] =	vst v63  }
0x1c4: {  	s13 =	simm.s32 $0x4800  }
0x1c5: {  	[tilespmem:s13], [sflag:$0x1] =	stream.indirect_vreg.gather [hbm4b:s6+s3], $0x80, v27, vm0, $0xb8;
	[tilespmem:$0x1E180] =	vst v63  }
0x1c6: {  	s14 =	simm.s32 $0x5000  }
0x1c7: {  	[tilespmem:s14], [sflag:$0x1] =	stream.indirect_vreg.gather [hbm4b:s9+s3], $0x80, v27, vm0, $0xb8;
	[tilespmem:$0x1E180] =	vst v63  }
0x1c8: {  	s26 =	simm.s32 $0x5800  }
0x1c9: {  	[tilespmem:s26], [sflag:$0x1] =	stream.indirect_vreg.gather [hbm4b:s16+s3], $0x80, v27, vm0, $0xb8;
	[tilespmem:$0x1E180] =	vst v63  }
0x1ca: {  	v27 =	vld [tilespmem:$0x1E020];
	_ =	sdelay $0x4  }
0x1cb: {  	v50 =	vshrl.u32 v27, $0x3  }
0x1cc: {  	v28 =	vmul.u32 $0x30, v50  }
0x1cd: {  	v27 =	vand.u32 $0x7, v27  }
0x1ce: {  	v27 =	vor.u32 v27, v28  }
0x1cf: {  	v28 =	vperm.xlane v27, v15;
	_ =	sdelay $0x1  }
0x1d0: {  	v28 =	vadd.s32 v16, v28;
	_ =	sdelay $0x3  }
0x1d1: {  	s28 =	simm.s32 $0x6000;
	v27 =	vperm.xlane v27, v17  }
0x1d2: {  	[tilespmem:s28], [sflag:$0x1] =	stream.indirect_vreg.gather [hbm4b:s6+s3], $0x80, v28, vm0, $0xb8;
	[tilespmem:$0x1E180] =	vst v63  }
0x1d3: {  	s29 =	simm.s32 $0x6800;
	v27 =	vadd.s32 v16, v27  }
0x1d4: {  	[tilespmem:s29], [sflag:$0x1] =	stream.indirect_vreg.gather [hbm4b:s9+s3], $0x80, v28, vm0, $0xb8;
	[tilespmem:$0x1E180] =	vst v63  }
0x1d5: {  	s22 =	simm.s32 $0x7000  }
0x1d6: {  	[tilespmem:s22], [sflag:$0x1] =	stream.indirect_vreg.gather [hbm4b:s16+s3], $0x80, v28, vm0, $0xb8;
	[tilespmem:$0x1E180] =	vst v63  }
0x1d7: {  	s30 =	simm.s32 $0x7800  }
0x1d8: {  	[tilespmem:s30], [sflag:$0x1] =	stream.indirect_vreg.gather [hbm4b:s6+s3], $0x80, v27, vm0, $0xb8;
	[tilespmem:$0x1E180] =	vst v63  }
0x1d9: {  	s31 =	simm.s32 $0x8000  }
0x1da: {  	[tilespmem:s31], [sflag:$0x1] =	stream.indirect_vreg.gather [hbm4b:s9+s3], $0x80, v27, vm0, $0xb8;
	[tilespmem:$0x1E180] =	vst v63  }
0x1db: {  	s7 =	simm.s32 $0x8800  }
0x1dc: {  	[tilespmem:s7], [sflag:$0x1] =	stream.indirect_vreg.gather [hbm4b:s16+s3], $0x80, v27, vm0, $0xb8;
	[tilespmem:$0x1E180] =	vst v63  }
0x1dd: {  	v27 =	vld [tilespmem:$0x1E030];
	_ =	sdelay $0x4  }
0x1de: {  	v51 =	vshrl.u32 v27, $0x3  }
0x1df: {  	v28 =	vmul.u32 $0x30, v51  }
0x1e0: {  	v27 =	vand.u32 $0x7, v27  }
0x1e1: {  	v27 =	vor.u32 v27, v28  }
0x1e2: {  	v28 =	vperm.xlane v27, v15;
	_ =	sdelay $0x1  }
0x1e3: {  	v28 =	vadd.s32 v16, v28;
	_ =	sdelay $0x3  }
0x1e4: {  	s8 =	simm.s32 $0x9000;
	v27 =	vperm.xlane v27, v17  }
0x1e5: {  	[tilespmem:s8], [sflag:$0x1] =	stream.indirect_vreg.gather [hbm4b:s6+s3], $0x80, v28, vm0, $0xb8;
	[tilespmem:$0x1E180] =	vst v63  }
0x1e6: {  	s2 =	simm.s32 $0x9800;
	v27 =	vadd.s32 v16, v27  }
0x1e7: {  	[tilespmem:s2], [sflag:$0x1] =	stream.indirect_vreg.gather [hbm4b:s9+s3], $0x80, v28, vm0, $0xb8;
	[tilespmem:$0x1E180] =	vst v63  }
0x1e8: {  	s7 =	simm.s32 $0xA000  }
0x1e9: {  	[tilespmem:s7], [sflag:$0x1] =	stream.indirect_vreg.gather [hbm4b:s16+s3], $0x80, v28, vm0, $0xb8;
	[tilespmem:$0x1E180] =	vst v63  }
0x1ea: {  	s8 =	simm.s32 $0xA800  }
0x1eb: {  	[tilespmem:s8], [sflag:$0x1] =	stream.indirect_vreg.gather [hbm4b:s6+s3], $0x80, v27, vm0, $0xb8;
	[tilespmem:$0x1E180] =	vst v63  }
0x1ec: {  	s25 =	simm.s32 $0xB000  }
0x1ed: {  	[tilespmem:s25], [sflag:$0x1] =	stream.indirect_vreg.gather [hbm4b:s9+s3], $0x80, v27, vm0, $0xb8;
	[tilespmem:$0x1E180] =	vst v63  }
0x1ee: {  	s4 =	simm.s32 $0xB800  }
0x1ef: {  	[tilespmem:s4], [sflag:$0x1] =	stream.indirect_vreg.gather [hbm4b:s16+s3], $0x80, v27, vm0, $0xb8;
	[tilespmem:$0x1E180] =	vst v63  }
0x1f0: {  	v27 =	vld [tilespmem:$0x1E040];
	_ =	sdelay $0x4  }
0x1f1: {  	v52 =	vshrl.u32 v27, $0x3  }
0x1f2: {  	v28 =	vmul.u32 $0x30, v52  }
0x1f3: {  	v27 =	vand.u32 $0x7, v27  }
0x1f4: {  	v27 =	vor.u32 v27, v28  }
0x1f5: {  	v28 =	vperm.xlane v27, v15;
	_ =	sdelay $0x1  }
0x1f6: {  	v28 =	vadd.s32 v16, v28;
	_ =	sdelay $0x3  }
0x1f7: {  	s1 =	simm.s32 $0xF000;
	v27 =	vperm.xlane v27, v17  }
0x1f8: {  	[tilespmem:s1], [sflag:$0x2] =	stream.indirect_vreg.gather [hbm4b:s6+s3], $0x80, v28, vm0, $0xb8;
	[tilespmem:$0x1E180] =	vst v63  }
0x1f9: {  	s17 =	simm.s32 $0xF800;
	v27 =	vadd.s32 v16, v27  }
0x1fa: {  	[tilespmem:s17], [sflag:$0x2] =	stream.indirect_vreg.gather [hbm4b:s9+s3], $0x80, v28, vm0, $0xb8;
	[tilespmem:$0x1E180] =	vst v63  }
0x1fb: {  	s17 =	simm.s32 $0x10000  }
0x1fc: {  	[tilespmem:s17], [sflag:$0x2] =	stream.indirect_vreg.gather [hbm4b:s16+s3], $0x80, v28, vm0, $0xb8;
	[tilespmem:$0x1E180] =	vst v63  }
0x1fd: {  	s17 =	simm.s32 $0x10800  }
0x1fe: {  	[tilespmem:s17], [sflag:$0x2] =	stream.indirect_vreg.gather [hbm4b:s6+s3], $0x80, v27, vm0, $0xb8;
	[tilespmem:$0x1E180] =	vst v63  }
0x1ff: {  	s17 =	simm.s32 $0x11000  }
0x200: {  	[tilespmem:s17], [sflag:$0x2] =	stream.indirect_vreg.gather [hbm4b:s9+s3], $0x80, v27, vm0, $0xb8;
	[tilespmem:$0x1E180] =	vst v63  }
0x201: {  	s17 =	simm.s32 $0x11800  }
0x202: {  	[tilespmem:s17], [sflag:$0x2] =	stream.indirect_vreg.gather [hbm4b:s16+s3], $0x80, v27, vm0, $0xb8;
	[tilespmem:$0x1E180] =	vst v63  }
0x203: {  	v27 =	vld [tilespmem:$0x1E050];
	_ =	sdelay $0x4  }
0x204: {  	v53 =	vshrl.u32 v27, $0x3  }
0x205: {  	v28 =	vmul.u32 $0x30, v53  }
0x206: {  	v27 =	vand.u32 $0x7, v27  }
0x207: {  	v27 =	vor.u32 v27, v28  }
0x208: {  	v28 =	vperm.xlane v27, v15;
	_ =	sdelay $0x1  }
0x209: {  	v28 =	vadd.s32 v16, v28;
	_ =	sdelay $0x3  }
0x20a: {  	s17 =	simm.s32 $0x12000;
	v27 =	vperm.xlane v27, v17  }
0x20b: {  	[tilespmem:s17], [sflag:$0x2] =	stream.indirect_vreg.gather [hbm4b:s6+s3], $0x80, v28, vm0, $0xb8;
	[tilespmem:$0x1E180] =	vst v63  }
0x20c: {  	v27 =	vadd.s32 v16, v27;
	s17 =	simm.s32 $0x12800  }
0x20d: {  	[tilespmem:s17], [sflag:$0x2] =	stream.indirect_vreg.gather [hbm4b:s9+s3], $0x80, v28, vm0, $0xb8;
	[tilespmem:$0x1E180] =	vst v63  }
0x20e: {  	s17 =	simm.s32 $0x13000  }
0x20f: {  	[tilespmem:s17], [sflag:$0x2] =	stream.indirect_vreg.gather [hbm4b:s16+s3], $0x80, v28, vm0, $0xb8;
	[tilespmem:$0x1E180] =	vst v63  }
0x210: {  	s17 =	simm.s32 $0x13800  }
0x211: {  	[tilespmem:s17], [sflag:$0x2] =	stream.indirect_vreg.gather [hbm4b:s6+s3], $0x80, v27, vm0, $0xb8;
	[tilespmem:$0x1E180] =	vst v63  }
0x212: {  	s17 =	simm.s32 $0x14000  }
0x213: {  	[tilespmem:s17], [sflag:$0x2] =	stream.indirect_vreg.gather [hbm4b:s9+s3], $0x80, v27, vm0, $0xb8;
	[tilespmem:$0x1E180] =	vst v63  }
0x214: {  	s17 =	simm.s32 $0x14800  }
0x215: {  	[tilespmem:s17], [sflag:$0x2] =	stream.indirect_vreg.gather [hbm4b:s16+s3], $0x80, v27, vm0, $0xb8;
	[tilespmem:$0x1E180] =	vst v63  }
0x216: {  	v27 =	vld [tilespmem:$0x1E060];
	_ =	sdelay $0x4  }
0x217: {  	v54 =	vshrl.u32 v27, $0x3  }
0x218: {  	v28 =	vmul.u32 $0x30, v54  }
0x219: {  	v27 =	vand.u32 $0x7, v27  }
0x21a: {  	v27 =	vor.u32 v27, v28  }
0x21b: {  	v28 =	vperm.xlane v27, v15;
	_ =	sdelay $0x1  }
0x21c: {  	v28 =	vadd.s32 v16, v28;
	_ =	sdelay $0x3  }
0x21d: {  	s17 =	simm.s32 $0x15000;
	v27 =	vperm.xlane v27, v17  }
0x21e: {  	[tilespmem:s17], [sflag:$0x2] =	stream.indirect_vreg.gather [hbm4b:s6+s3], $0x80, v28, vm0, $0xb8;
	[tilespmem:$0x1E180] =	vst v63  }
0x21f: {  	v27 =	vadd.s32 v16, v27;
	s17 =	simm.s32 $0x15800  }
0x220: {  	[tilespmem:s17], [sflag:$0x2] =	stream.indirect_vreg.gather [hbm4b:s9+s3], $0x80, v28, vm0, $0xb8;
	[tilespmem:$0x1E180] =	vst v63  }
0x221: {  	s17 =	simm.s32 $0x16000  }
0x222: {  	[tilespmem:s17], [sflag:$0x2] =	stream.indirect_vreg.gather [hbm4b:s16+s3], $0x80, v28, vm0, $0xb8;
	[tilespmem:$0x1E180] =	vst v63  }
0x223: {  	s17 =	simm.s32 $0x16800  }
0x224: {  	[tilespmem:s17], [sflag:$0x2] =	stream.indirect_vreg.gather [hbm4b:s6+s3], $0x80, v27, vm0, $0xb8;
	[tilespmem:$0x1E180] =	vst v63  }
0x225: {  	s17 =	simm.s32 $0x17000  }
0x226: {  	[tilespmem:s17], [sflag:$0x2] =	stream.indirect_vreg.gather [hbm4b:s9+s3], $0x80, v27, vm0, $0xb8;
	[tilespmem:$0x1E180] =	vst v63  }
0x227: {  	s17 =	simm.s32 $0x17800  }
0x228: {  	[tilespmem:s17], [sflag:$0x2] =	stream.indirect_vreg.gather [hbm4b:s16+s3], $0x80, v27, vm0, $0xb8;
	[tilespmem:$0x1E180] =	vst v63  }
0x229: {  	v27 =	vld [tilespmem:$0x1E070];
	_ =	sdelay $0x4  }
0x22a: {  	v55 =	vshrl.u32 v27, $0x3  }
0x22b: {  	v28 =	vmul.u32 $0x30, v55  }
0x22c: {  	v27 =	vand.u32 $0x7, v27  }
0x22d: {  	v27 =	vor.u32 v27, v28  }
0x22e: {  	v28 =	vperm.xlane v27, v15;
	_ =	sdelay $0x1  }
0x22f: {  	v28 =	vadd.s32 v16, v28;
	_ =	sdelay $0x3  }
0x230: {  	s17 =	simm.s32 $0x18000;
	v27 =	vperm.xlane v27, v17  }
0x231: {  	[tilespmem:s17], [sflag:$0x2] =	stream.indirect_vreg.gather [hbm4b:s6+s3], $0x80, v28, vm0, $0xb8;
	[tilespmem:$0x1E180] =	vst v63  }
0x232: {  	v27 =	vadd.s32 v16, v27;
	s17 =	simm.s32 $0x18800  }
0x233: {  	[tilespmem:s17], [sflag:$0x2] =	stream.indirect_vreg.gather [hbm4b:s9+s3], $0x80, v28, vm0, $0xb8;
	[tilespmem:$0x1E180] =	vst v63  }
0x234: {  	s17 =	simm.s32 $0x19000  }
0x235: {  	[tilespmem:s17], [sflag:$0x2] =	stream.indirect_vreg.gather [hbm4b:s16+s3], $0x80, v28, vm0, $0xb8;
	[tilespmem:$0x1E180] =	vst v63  }
0x236: {  	s17 =	simm.s32 $0x19800  }
0x237: {  	[tilespmem:s17], [sflag:$0x2] =	stream.indirect_vreg.gather [hbm4b:s6+s3], $0x80, v27, vm0, $0xb8;
	[tilespmem:$0x1E180] =	vst v63  }
0x238: {  	s17 =	simm.s32 $0x1A000  }
0x239: {  	[tilespmem:s17], [sflag:$0x2] =	stream.indirect_vreg.gather [hbm4b:s9+s3], $0x80, v27, vm0, $0xb8;
	[tilespmem:$0x1E180] =	vst v63  }
0x23a: {  	s17 =	simm.s32 $0x1A800  }
0x23b: {  	[tilespmem:s17], [sflag:$0x2] =	stream.indirect_vreg.gather [hbm4b:s16+s3], $0x80, v27, vm0, $0xb8;
	[tilespmem:$0x1E180] =	vst v63  }
0x23c: {  	s17 =	simm.s32 $0x1  }
0x23d: {  	_ =	swait.ge [sflag:s17], $0xC000  }
0x23e: {  	[sflag:s17] =	ssyncset.done $0x0  }
0x23f: {  	[sflag:s17] =	ssyncadd.s32 $0xFFFF4000  }
0x240: {  	s17 =	rddreg [dreg:$0x1]  }
0x241: {  	[tilespmem:s3], [sflag:$0xA] =	stream.linear.gather [hbm4b:s17+s3], $0x80, $0x38;
	[tilespmem:$0x1E180] =	vst v63  }
0x242: {  	s0 =	simm.s32 $0x400;
	s17 =	rddreg [dreg:$0xb]  }
0x243: {  	[tilespmem:s0], [sflag:$0xA] =	stream.linear.gather [hbm4b:s17+s3], $0x80, $0x38;
	[tilespmem:$0x1E180] =	vst v63  }
0x244: {  	s0 =	rddreg [dreg:$0xc]  }
0x245: {  	[tilespmem:s24], [sflag:$0xA] =	stream.linear.gather [hbm4b:s0+s3], $0x80, $0x38;
	[tilespmem:$0x1E180] =	vst v63  }
0x246: {  	s17 =	rddreg [dreg:$0xd];
	s0 =	simm.s32 $0xC00  }
0x247: {  	[tilespmem:s0], [sflag:$0xA] =	stream.linear.gather [hbm4b:s17+s3], $0x80, $0x38;
	[tilespmem:$0x1E180] =	vst v63  }
0x248: {  	s0 =	rddreg [dreg:$0xe]  }
0x249: {  	[tilespmem:s5], [sflag:$0xA] =	stream.linear.gather [hbm4b:s0+s3], $0x80, $0x38;
	[tilespmem:$0x1E180] =	vst v63  }
0x24a: {  	s17 =	rddreg [dreg:$0xf];
	s0 =	simm.s32 $0x1400  }
0x24b: {  	[tilespmem:s0], [sflag:$0xA] =	stream.linear.gather [hbm4b:s17+s3], $0x80, $0x38;
	[tilespmem:$0x1E180] =	vst v63  }
0x24c: {  	s17 =	simm.s32 $0xA  }
0x24d: {  	_ =	swait.ge [sflag:s17], $0x300  }
0x24e: {  	[sflag:s17] =	ssyncset.done $0x0  }
0x24f: {  	s0 =	rddreg [dreg:$0x10];
	[sflag:s17] =	ssyncadd.s32 $0xFFFFFD00  }
0x250: {  	[hbm4b:s0+s3] =	stream.linear.scatter [tilespmem:s3], [sflag:$0x5], $0xC000, $0x38;
	[tilespmem:$0x1E180] =	vst v63  }
0x251: {  	s0 =	simm.s32 $0x2  }
0x252: {  	_ =	swait.ge [sflag:s0], $0xC000  }
0x253: {  	[sflag:s0] =	ssyncset.done $0x0  }
0x254: {  	[sflag:s0] =	ssyncadd.s32 $0xFFFF4000;
	s0 =	rddreg [dreg:$0x4]  }
0x255: {  	[hbm4b:s0+s3] =	stream.linear.scatter [tilespmem:s1], [sflag:$0x6], $0xC000, $0x38;
	[tilespmem:$0x1E180] =	vst v63  }
0x256: {  	s0 =	simm.s32 $0x5  }
0x257: {  	_ =	swait.ge [sflag:s0], $0xC000  }
0x258: {  	[sflag:s0] =	ssyncset.done $0x0  }
0x259: {  	[sflag:s0] =	ssyncadd.s32 $0xFFFF4000  }
0x25a: {  	v27 =	vld [tilespmem:$0x1E080];
	_ =	sdelay $0x4  }
0x25b: {  	v56 =	vshrl.u32 v27, $0x3  }
0x25c: {  	v28 =	vmul.u32 $0x30, v56  }
0x25d: {  	v27 =	vand.u32 $0x7, v27  }
0x25e: {  	v27 =	vor.u32 v27, v28  }
0x25f: {  	v28 =	vperm.xlane v27, v15;
	_ =	sdelay $0x1  }
0x260: {  	v28 =	vadd.s32 v16, v28;
	_ =	sdelay $0x3  }
0x261: {  	v27 =	vperm.xlane v27, v17  }
0x262: {  	[tilespmem:s3], [sflag:$0x3] =	stream.indirect_vreg.gather [hbm4b:s6+s3], $0x80, v28, vm0, $0xb8;
	[tilespmem:$0x1E180] =	vst v63  }
0x263: {  	v27 =	vadd.s32 v16, v27  }
0x264: {  	[tilespmem:s24], [sflag:$0x3] =	stream.indirect_vreg.gather [hbm4b:s9+s3], $0x80, v28, vm0, $0xb8;
	[tilespmem:$0x1E180] =	vst v63  }
0x265: {  	_ = 	snop  }
0x266: {  	[tilespmem:s5], [sflag:$0x3] =	stream.indirect_vreg.gather [hbm4b:s16+s3], $0x80, v28, vm0, $0xb8;
	[tilespmem:$0x1E180] =	vst v63  }
0x267: {  	s17 =	simm.s32 $0x1800  }
0x268: {  	[tilespmem:s17], [sflag:$0x3] =	stream.indirect_vreg.gather [hbm4b:s6+s3], $0x80, v27, vm0, $0xb8;
	[tilespmem:$0x1E180] =	vst v63  }
0x269: {  	_ = 	snop  }
0x26a: {  	[tilespmem:s18], [sflag:$0x3] =	stream.indirect_vreg.gather [hbm4b:s9+s3], $0x80, v27, vm0, $0xb8;
	[tilespmem:$0x1E180] =	vst v63  }
0x26b: {  	_ = 	snop  }
0x26c: {  	[tilespmem:s19], [sflag:$0x3] =	stream.indirect_vreg.gather [hbm4b:s16+s3], $0x80, v27, vm0, $0xb8;
	[tilespmem:$0x1E180] =	vst v63  }
0x26d: {  	v27 =	vld [tilespmem:$0x1E090];
	_ =	sdelay $0x4  }
0x26e: {  	v57 =	vshrl.u32 v27, $0x3  }
0x26f: {  	v28 =	vmul.u32 $0x30, v57  }
0x270: {  	v27 =	vand.u32 $0x7, v27  }
0x271: {  	v27 =	vor.u32 v27, v28  }
0x272: {  	v28 =	vperm.xlane v27, v15;
	_ =	sdelay $0x1  }
0x273: {  	v28 =	vadd.s32 v16, v28;
	_ =	sdelay $0x3  }
0x274: {  	v27 =	vperm.xlane v27, v17  }
0x275: {  	[tilespmem:s20], [sflag:$0x3] =	stream.indirect_vreg.gather [hbm4b:s6+s3], $0x80, v28, vm0, $0xb8;
	[tilespmem:$0x1E180] =	vst v63  }
0x276: {  	v27 =	vadd.s32 v16, v27  }
0x277: {  	[tilespmem:s11], [sflag:$0x3] =	stream.indirect_vreg.gather [hbm4b:s9+s3], $0x80, v28, vm0, $0xb8;
	[tilespmem:$0x1E180] =	vst v63  }
0x278: {  	_ = 	snop  }
0x279: {  	[tilespmem:s12], [sflag:$0x3] =	stream.indirect_vreg.gather [hbm4b:s16+s3], $0x80, v28, vm0, $0xb8;
	[tilespmem:$0x1E180] =	vst v63  }
0x27a: {  	_ = 	snop  }
0x27b: {  	[tilespmem:s13], [sflag:$0x3] =	stream.indirect_vreg.gather [hbm4b:s6+s3], $0x80, v27, vm0, $0xb8;
	[tilespmem:$0x1E180] =	vst v63  }
0x27c: {  	_ = 	snop  }
0x27d: {  	[tilespmem:s14], [sflag:$0x3] =	stream.indirect_vreg.gather [hbm4b:s9+s3], $0x80, v27, vm0, $0xb8;
	[tilespmem:$0x1E180] =	vst v63  }
0x27e: {  	_ = 	snop  }
0x27f: {  	[tilespmem:s26], [sflag:$0x3] =	stream.indirect_vreg.gather [hbm4b:s16+s3], $0x80, v27, vm0, $0xb8;
	[tilespmem:$0x1E180] =	vst v63  }
0x280: {  	v27 =	vld [tilespmem:$0x1E0A0];
	_ =	sdelay $0x4  }
0x281: {  	v58 =	vshrl.u32 v27, $0x3  }
0x282: {  	v28 =	vmul.u32 $0x30, v58  }
0x283: {  	v27 =	vand.u32 $0x7, v27  }
0x284: {  	v27 =	vor.u32 v27, v28  }
0x285: {  	v28 =	vperm.xlane v27, v15;
	_ =	sdelay $0x1  }
0x286: {  	v28 =	vadd.s32 v16, v28;
	_ =	sdelay $0x3  }
0x287: {  	v27 =	vperm.xlane v27, v17  }
0x288: {  	[tilespmem:s28], [sflag:$0x3] =	stream.indirect_vreg.gather [hbm4b:s6+s3], $0x80, v28, vm0, $0xb8;
	[tilespmem:$0x1E180] =	vst v63  }
0x289: {  	v27 =	vadd.s32 v16, v27  }
0x28a: {  	[tilespmem:s29], [sflag:$0x3] =	stream.indirect_vreg.gather [hbm4b:s9+s3], $0x80, v28, vm0, $0xb8;
	[tilespmem:$0x1E180] =	vst v63  }
0x28b: {  	_ = 	snop  }
0x28c: {  	[tilespmem:s22], [sflag:$0x3] =	stream.indirect_vreg.gather [hbm4b:s16+s3], $0x80, v28, vm0, $0xb8;
	[tilespmem:$0x1E180] =	vst v63  }
0x28d: {  	_ = 	snop  }
0x28e: {  	[tilespmem:s30], [sflag:$0x3] =	stream.indirect_vreg.gather [hbm4b:s6+s3], $0x80, v27, vm0, $0xb8;
	[tilespmem:$0x1E180] =	vst v63  }
0x28f: {  	_ = 	snop  }
0x290: {  	[tilespmem:s31], [sflag:$0x3] =	stream.indirect_vreg.gather [hbm4b:s9+s3], $0x80, v27, vm0, $0xb8;
	[tilespmem:$0x1E180] =	vst v63  }
0x291: {  	s18 =	simm.s32 $0x8800  }
0x292: {  	[tilespmem:s18], [sflag:$0x3] =	stream.indirect_vreg.gather [hbm4b:s16+s3], $0x80, v27, vm0, $0xb8;
	[tilespmem:$0x1E180] =	vst v63  }
0x293: {  	v27 =	vld [tilespmem:$0x1E0B0];
	_ =	sdelay $0x4  }
0x294: {  	v59 =	vshrl.u32 v27, $0x3  }
0x295: {  	v28 =	vmul.u32 $0x30, v59  }
0x296: {  	v27 =	vand.u32 $0x7, v27  }
0x297: {  	v27 =	vor.u32 v27, v28  }
0x298: {  	v28 =	vperm.xlane v27, v15;
	_ =	sdelay $0x1  }
0x299: {  	v28 =	vadd.s32 v16, v28;
	_ =	sdelay $0x3  }
0x29a: {  	s19 =	simm.s32 $0x9000;
	v27 =	vperm.xlane v27, v17  }
0x29b: {  	[tilespmem:s19], [sflag:$0x3] =	stream.indirect_vreg.gather [hbm4b:s6+s3], $0x80, v28, vm0, $0xb8;
	[tilespmem:$0x1E180] =	vst v63  }
0x29c: {  	v27 =	vadd.s32 v16, v27  }
0x29d: {  	[tilespmem:s2], [sflag:$0x3] =	stream.indirect_vreg.gather [hbm4b:s9+s3], $0x80, v28, vm0, $0xb8;
	[tilespmem:$0x1E180] =	vst v63  }
0x29e: {  	_ = 	snop  }
0x29f: {  	[tilespmem:s7], [sflag:$0x3] =	stream.indirect_vreg.gather [hbm4b:s16+s3], $0x80, v28, vm0, $0xb8;
	[tilespmem:$0x1E180] =	vst v63  }
0x2a0: {  	_ = 	snop  }
0x2a1: {  	[tilespmem:s8], [sflag:$0x3] =	stream.indirect_vreg.gather [hbm4b:s6+s3], $0x80, v27, vm0, $0xb8;
	[tilespmem:$0x1E180] =	vst v63  }
0x2a2: {  	_ = 	snop  }
0x2a3: {  	[tilespmem:s25], [sflag:$0x3] =	stream.indirect_vreg.gather [hbm4b:s9+s3], $0x80, v27, vm0, $0xb8;
	[tilespmem:$0x1E180] =	vst v63  }
0x2a4: {  	s20 =	simm.s32 $0x6  }
0x2a5: {  	[tilespmem:s4], [sflag:$0x3] =	stream.indirect_vreg.gather [hbm4b:s16+s3], $0x80, v27, vm0, $0xb8;
	[tilespmem:$0x1E180] =	vst v63  }
0x2a6: {  	_ =	swait.ge [sflag:s20], $0xC000  }
0x2a7: {  	[sflag:s20] =	ssyncset.done $0x0  }
0x2a8: {  	[sflag:s20] =	ssyncadd.s32 $0xFFFF4000  }
0x2a9: {  	v27 =	vld [tilespmem:$0x1E0C0];
	_ =	sdelay $0x4  }
0x2aa: {  	v60 =	vshrl.u32 v27, $0x3  }
0x2ab: {  	v28 =	vmul.u32 $0x30, v60  }
0x2ac: {  	v27 =	vand.u32 $0x7, v27  }
0x2ad: {  	v27 =	vor.u32 v27, v28  }
0x2ae: {  	v28 =	vperm.xlane v27, v15;
	_ =	sdelay $0x1  }
0x2af: {  	v28 =	vadd.s32 v16, v28;
	_ =	sdelay $0x3  }
0x2b0: {  	v27 =	vperm.xlane v27, v17  }
0x2b1: {  	[tilespmem:s1], [sflag:$0x4] =	stream.indirect_vreg.gather [hbm4b:s6+s3], $0x80, v28, vm0, $0xb8;
	[tilespmem:$0x1E180] =	vst v63  }
0x2b2: {  	s22 =	simm.s32 $0xF800;
	v27 =	vadd.s32 v16, v27  }
0x2b3: {  	[tilespmem:s22], [sflag:$0x4] =	stream.indirect_vreg.gather [hbm4b:s9+s3], $0x80, v28, vm0, $0xb8;
	[tilespmem:$0x1E180] =	vst v63  }
0x2b4: {  	s24 =	simm.s32 $0x10000  }
0x2b5: {  	[tilespmem:s24], [sflag:$0x4] =	stream.indirect_vreg.gather [hbm4b:s16+s3], $0x80, v28, vm0, $0xb8;
	[tilespmem:$0x1E180] =	vst v63  }
0x2b6: {  	s25 =	simm.s32 $0x10800  }
0x2b7: {  	[tilespmem:s25], [sflag:$0x4] =	stream.indirect_vreg.gather [hbm4b:s6+s3], $0x80, v27, vm0, $0xb8;
	[tilespmem:$0x1E180] =	vst v63  }
0x2b8: {  	s26 =	simm.s32 $0x11000  }
0x2b9: {  	[tilespmem:s26], [sflag:$0x4] =	stream.indirect_vreg.gather [hbm4b:s9+s3], $0x80, v27, vm0, $0xb8;
	[tilespmem:$0x1E180] =	vst v63  }
0x2ba: {  	s28 =	simm.s32 $0x11800  }
0x2bb: {  	[tilespmem:s28], [sflag:$0x4] =	stream.indirect_vreg.gather [hbm4b:s16+s3], $0x80, v27, vm0, $0xb8;
	[tilespmem:$0x1E180] =	vst v63  }
0x2bc: {  	v27 =	vld [tilespmem:$0x1E0D0];
	_ =	sdelay $0x4  }
0x2bd: {  	v61 =	vshrl.u32 v27, $0x3  }
0x2be: {  	v28 =	vmul.u32 $0x30, v61  }
0x2bf: {  	v27 =	vand.u32 $0x7, v27  }
0x2c0: {  	v27 =	vor.u32 v27, v28  }
0x2c1: {  	v28 =	vperm.xlane v27, v15;
	_ =	sdelay $0x1  }
0x2c2: {  	v28 =	vadd.s32 v16, v28;
	_ =	sdelay $0x3  }
0x2c3: {  	s29 =	simm.s32 $0x12000;
	v27 =	vperm.xlane v27, v17  }
0x2c4: {  	[tilespmem:s29], [sflag:$0x4] =	stream.indirect_vreg.gather [hbm4b:s6+s3], $0x80, v28, vm0, $0xb8;
	[tilespmem:$0x1E180] =	vst v63  }
0x2c5: {  	s30 =	simm.s32 $0x12800;
	v27 =	vadd.s32 v16, v27  }
0x2c6: {  	[tilespmem:s30], [sflag:$0x4] =	stream.indirect_vreg.gather [hbm4b:s9+s3], $0x80, v28, vm0, $0xb8;
	[tilespmem:$0x1E180] =	vst v63  }
0x2c7: {  	s31 =	simm.s32 $0x13000  }
0x2c8: {  	[tilespmem:s31], [sflag:$0x4] =	stream.indirect_vreg.gather [hbm4b:s16+s3], $0x80, v28, vm0, $0xb8;
	[tilespmem:$0x1E180] =	vst v63  }
0x2c9: {  	s2 =	simm.s32 $0x13800  }
0x2ca: {  	[tilespmem:s2], [sflag:$0x4] =	stream.indirect_vreg.gather [hbm4b:s6+s3], $0x80, v27, vm0, $0xb8;
	[tilespmem:$0x1E180] =	vst v63  }
0x2cb: {  	s4 =	simm.s32 $0x14000  }
0x2cc: {  	[tilespmem:s4], [sflag:$0x4] =	stream.indirect_vreg.gather [hbm4b:s9+s3], $0x80, v27, vm0, $0xb8;
	[tilespmem:$0x1E180] =	vst v63  }
0x2cd: {  	s5 =	simm.s32 $0x14800  }
0x2ce: {  	[tilespmem:s5], [sflag:$0x4] =	stream.indirect_vreg.gather [hbm4b:s16+s3], $0x80, v27, vm0, $0xb8;
	[tilespmem:$0x1E180] =	vst v63  }
0x2cf: {  	v27 =	vld [tilespmem:$0x1E0E0];
	_ =	sdelay $0x4  }
0x2d0: {  	v62 =	vshrl.u32 v27, $0x3  }
0x2d1: {  	v28 =	vmul.u32 $0x30, v62  }
0x2d2: {  	v27 =	vand.u32 $0x7, v27  }
0x2d3: {  	v27 =	vor.u32 v27, v28  }
0x2d4: {  	v28 =	vperm.xlane v27, v15;
	_ =	sdelay $0x1  }
0x2d5: {  	v28 =	vadd.s32 v16, v28;
	_ =	sdelay $0x3  }
0x2d6: {  	s7 =	simm.s32 $0x15000;
	v27 =	vperm.xlane v27, v17  }
0x2d7: {  	[tilespmem:s7], [sflag:$0x4] =	stream.indirect_vreg.gather [hbm4b:s6+s3], $0x80, v28, vm0, $0xb8;
	[tilespmem:$0x1E180] =	vst v63  }
0x2d8: {  	s8 =	simm.s32 $0x15800;
	v27 =	vadd.s32 v16, v27  }
0x2d9: {  	[tilespmem:s8], [sflag:$0x4] =	stream.indirect_vreg.gather [hbm4b:s9+s3], $0x80, v28, vm0, $0xb8;
	[tilespmem:$0x1E180] =	vst v63  }
0x2da: {  	s11 =	simm.s32 $0x16000  }
0x2db: {  	[tilespmem:s11], [sflag:$0x4] =	stream.indirect_vreg.gather [hbm4b:s16+s3], $0x80, v28, vm0, $0xb8;
	[tilespmem:$0x1E180] =	vst v63  }
0x2dc: {  	s12 =	simm.s32 $0x16800  }
0x2dd: {  	[tilespmem:s12], [sflag:$0x4] =	stream.indirect_vreg.gather [hbm4b:s6+s3], $0x80, v27, vm0, $0xb8;
	[tilespmem:$0x1E180] =	vst v63  }
0x2de: {  	s13 =	simm.s32 $0x17000  }
0x2df: {  	[tilespmem:s13], [sflag:$0x4] =	stream.indirect_vreg.gather [hbm4b:s9+s3], $0x80, v27, vm0, $0xb8;
	[tilespmem:$0x1E180] =	vst v63  }
0x2e0: {  	s14 =	simm.s32 $0x17800  }
0x2e1: {  	[tilespmem:s14], [sflag:$0x4] =	stream.indirect_vreg.gather [hbm4b:s16+s3], $0x80, v27, vm0, $0xb8;
	[tilespmem:$0x1E180] =	vst v63  }
0x2e2: {  	v27 =	vld [tilespmem:$0x1E0F0];
	_ =	sdelay $0x4  }
0x2e3: {  	v63 =	vshrl.u32 v27, $0x3  }
0x2e4: {  	v28 =	vmul.u32 $0x30, v63  }
0x2e5: {  	v27 =	vand.u32 $0x7, v27  }
0x2e6: {  	v27 =	vor.u32 v27, v28  }
0x2e7: {  	v28 =	vperm.xlane v27, v15;
	_ =	sdelay $0x1  }
0x2e8: {  	v28 =	vadd.s32 v16, v28;
	_ =	sdelay $0x3  }
0x2e9: {  	s17 =	simm.s32 $0x18000;
	v27 =	vperm.xlane v27, v17  }
0x2ea: {  	[tilespmem:s17], [sflag:$0x4] =	stream.indirect_vreg.gather [hbm4b:s6+s3], $0x80, v28, vm0, $0xb8;
	[tilespmem:$0x1E180] =	vst v63  }
0x2eb: {  	s18 =	simm.s32 $0x18800;
	v27 =	vadd.s32 v16, v27  }
0x2ec: {  	[tilespmem:s18], [sflag:$0x4] =	stream.indirect_vreg.gather [hbm4b:s9+s3], $0x80, v28, vm0, $0xb8;
	[tilespmem:$0x1E180] =	vst v63  }
0x2ed: {  	s19 =	simm.s32 $0x19000  }
0x2ee: {  	[tilespmem:s19], [sflag:$0x4] =	stream.indirect_vreg.gather [hbm4b:s16+s3], $0x80, v28, vm0, $0xb8;
	[tilespmem:$0x1E180] =	vst v63  }
0x2ef: {  	s20 =	simm.s32 $0x19800  }
0x2f0: {  	[tilespmem:s20], [sflag:$0x4] =	stream.indirect_vreg.gather [hbm4b:s6+s3], $0x80, v27, vm0, $0xb8;
	[tilespmem:$0x1E180] =	vst v63  }
0x2f1: {  	s22 =	simm.s32 $0x1A000  }
0x2f2: {  	[tilespmem:s22], [sflag:$0x4] =	stream.indirect_vreg.gather [hbm4b:s9+s3], $0x80, v27, vm0, $0xb8;
	[tilespmem:$0x1E180] =	vst v63  }
0x2f3: {  	s24 =	simm.s32 $0x1A800;
	s25 =	simm.s32 $0x3  }
0x2f4: {  	[tilespmem:s24], [sflag:$0x4] =	stream.indirect_vreg.gather [hbm4b:s16+s3], $0x80, v27, vm0, $0xb8;
	[tilespmem:$0x1E180] =	vst v63  }
0x2f5: {  	_ =	swait.ge [sflag:s25], $0xC000  }
0x2f6: {  	[sflag:s25] =	ssyncset.done $0x0  }
0x2f7: {  	s28 =	simm.s32 $0x4;
	s26 =	rddreg [dreg:$0x5];
	[sflag:s25] =	ssyncadd.s32 $0xFFFF4000  }
0x2f8: {  	[hbm4b:s26+s3] =	stream.linear.scatter [tilespmem:s3], [sflag:$0x7], $0xC000, $0x38;
	[tilespmem:$0x1E180] =	vst v63  }
0x2f9: {  	_ =	swait.ge [sflag:s28], $0xC000  }
0x2fa: {  	[sflag:s28] =	ssyncset.done $0x0  }
0x2fb: {  	s30 =	simm.s32 $0x7;
	s29 =	rddreg [dreg:$0x6];
	[sflag:s28] =	ssyncadd.s32 $0xFFFF4000  }
0x2fc: {  	[hbm4b:s29+s3] =	stream.linear.scatter [tilespmem:s1], [sflag:$0x8], $0xC000, $0x38;
	[tilespmem:$0x1E180] =	vst v63  }
0x2fd: {  	_ =	swait.ge [sflag:s30], $0xC000  }
.Ltmp3:
0x2fe: {  	[sflag:s30] =	ssyncset.done $0x0;
	(pc) =	sbr.rel @p1 .LBB2_4-.Ltmp3, $4  }
.Ltmp4:
0x2ff: {  	s31 =	simm.s32 $0x8;
	[sflag:s30] =	ssyncadd.s32 $0xFFFF4000;
	(pc) =	sbr.rel @!p1 .LBB2_3-.Ltmp4, $4  }
0x300: {  	_ =	swait.ge [sflag:s31], $0xC000  }
0x301: {  	[sflag:s31] =	ssyncset.done $0x0  }
0x302: {  	[sflag:s31] =	ssyncadd.s32 $0xFFFF4000  }
0x303: {  	_ = 	snop  }
.LBB2_5:
0x304: {  	_ =	sfence.sel $0x180000  }
0x305: {  	[bflag:$0x0] =	sbarrier.arrive $0xFFFF  }
0x306: {  	_ =	strace $0x90000047  }
0x307: {  	s0 =	stileid.u32;
	[bflag:$0x2] =	sbarrier.arrive $0xFFFF  }
0x308: {  	p0 =	sne.s32 s0, $0x0;
	s0 =	rddreg [dreg:$0x3]  }
0x309: {  	s0 =	sadd.s32 @!p0 $0x100000, s0  }
0x30a: {  	[sflag:s0] =	ssyncadd.tile.s32 @!p0 $0x1;
	_ =	shalt  }
.Lfunc_end2:
_tile_overlayer_lowered:
.L_overlay_start_2:
0x30b: {  	(tag) =	ssettag $0x2  }
0x30c: {  	s0 =	rddreg [dreg:$0x0];
	s2 =	stileid.u32  }
0x30d: {  	s1 =	rddreg [dreg:$0x1];
	p0 =	sne.s32 s2, $0x0  }
0x30e: {  	s3 =	rddreg [dreg:$0x2];
	[bflag:$0x3] =	sbarrier.arrive $0xFFFF;
	s2 =	simm.s32 @!p0 $0x1C0A  }
0x30f: {  	[timem:s3], [sflag:s2] =	dma.local @!p0 [hbm:s0], s1  }
0x310: {  	s0 =	simm.s32 @!p0 $0xA  }
0x311: {  	_ =	swait.ge @!p0 [sflag:s0], s1  }
0x312: {  	s1 =	ssub.s32 @!p0 $0x0, s1;
	[sflag:s0] =	ssyncset.done @!p0 $0x0  }
0x313: {  	[sflag:s0] =	ssyncadd.s32 @!p0 s1  }
0x314: {  	[bflag:$0x3] =	sbarrier.arrive $0xFFFF  }
0x315: {  	_ =	shalt  }

</sc_bundles>
